<compile_context>
chip_gen: v7x
topology: tpu7x:2x2x1
jax: 0.10.2.dev20260603
libtpu: 0.0.44.dev20260713+nightly
codegen_flags: <defaults>
</compile_context>

<pallas_src>
import functools

import jax
import jax.numpy as jnp
from jax import lax
from jax.experimental import pallas as pl
from jax.experimental.pallas import tpu as pltpu
from jax.experimental.pallas import tpu_sc as plsc

S = 1024
N = 50
D = 128
SEQ = 3 * N - 1
NC = 2
NS = 16
NW = NC * NS

CK = 128
CPC = S // CK
EX_CHUNKS = 2 * N * CPC
LB_REAL = (N - 1) * CPC
EX_PER_W = EX_CHUNKS // NW
LB_MAIN = 12
LB_TAIL = LB_REAL - NW * LB_MAIN
LB_ROWS = LB_MAIN + 1
LV = 1000
EX_NBUF = 5
LB_NBUF = 4


def _sc_gather_kernel():
    mesh = plsc.VectorSubcoreMesh(core_axis_name="c", subcore_axis_name="s")

    @functools.partial(
        pl.kernel,
        mesh=mesh,
        out_type=jax.ShapeDtypeStruct((SEQ * S, D), jnp.float32),
        scratch_types=(
            [pltpu.VMEM((CK, D), jnp.float32) for _ in range(EX_NBUF)]
            + [
                pltpu.VMEM((EX_PER_W, CK), jnp.int32),
                pltpu.VMEM((LB_ROWS, CK), jnp.int32),
                pltpu.VMEM_SHARED((LV, D), jnp.float32),
            ]
            + [pltpu.SemaphoreType.DMA for _ in range(2 * EX_NBUF + 2)]
        ),
    )
    def k(emb, lemb, ex_src, lb_src, out, *scratch):
        bufs = scratch[:EX_NBUF]
        sidx_e, sidx_l, ltab = scratch[EX_NBUF:EX_NBUF + 3]
        sem_g = scratch[EX_NBUF + 3:EX_NBUF + 3 + EX_NBUF]
        sem_s = scratch[EX_NBUF + 3 + EX_NBUF:EX_NBUF + 3 + 2 * EX_NBUF]
        sem_t = scratch[-2]
        sem_i = scratch[-1]

        sid = lax.axis_index("s")
        wid = sid * NC + lax.axis_index("c")

        @pl.when(sid == 0)
        def _():
            pltpu.async_copy(lemb, ltab, sem_t)

        pltpu.async_copy(lb_src.at[wid], sidx_l, sem_i)
        pltpu.sync_copy(ex_src.at[wid], sidx_e)

        def ex_base(j):
            g = wid * EX_PER_W + j
            col = g >> 3
            seg = g & 7
            t = 3 * (col >> 1) + (col & 1)
            return t * S + seg * CK

        def lb_base_of(g):
            col = g >> 3
            seg = g & 7
            t = 3 * col + 2
            return t * S + seg * CK

        def start_gather(tbl, sidx, j, b):
            pltpu.async_copy(tbl.at[sidx.at[j]], bufs[b], sem_g[b])

        def wait_gather(tbl, sidx, j, b):
            pltpu.make_async_copy(tbl.at[sidx.at[j]], bufs[b],
                                  sem_g[b]).wait()

        def start_scatter(base, b):
            pltpu.async_copy(bufs[b], out.at[pl.ds(base, CK)], sem_s[b])

        def wait_scatter(base, b):
            pltpu.make_async_copy(bufs[b], out.at[pl.ds(base, CK)],
                                  sem_s[b]).wait()

        for b in range(EX_NBUF):
            start_gather(emb, sidx_e, b, b)

        def lap(t, carry):
            for b in range(EX_NBUF):
                j = t * EX_NBUF + b
                wait_gather(emb, sidx_e, j, b)
                start_scatter(ex_base(j), b)
            for b in range(EX_NBUF):
                j = t * EX_NBUF + b
                wait_scatter(ex_base(j), b)
                start_gather(emb, sidx_e, j + EX_NBUF, b)
            return carry

        laps = EX_PER_W // EX_NBUF
        lax.fori_loop(0, laps - 1, lap, 0, unroll=False)
        for b in range(EX_NBUF):
            j = (laps - 1) * EX_NBUF + b
            wait_gather(emb, sidx_e, j, b)
            start_scatter(ex_base(j), b)
        for b in range(EX_NBUF):
            wait_scatter(ex_base((laps - 1) * EX_NBUF + b), b)

        pltpu.make_async_copy(lb_src.at[wid], sidx_l, sem_i).wait()

        @pl.when(sid == 0)
        def _():
            pltpu.make_async_copy(lemb, ltab, sem_t).wait()

        plsc.subcore_barrier()

        for b in range(LB_NBUF):
            start_gather(ltab, sidx_l, b, b)

        def lb_lap(t, carry):
            for b in range(LB_NBUF):
                i = t * LB_NBUF + b
                wait_gather(ltab, sidx_l, i, b)
                start_scatter(lb_base_of(wid * LB_MAIN + i), b)
            for b in range(LB_NBUF):
                i = t * LB_NBUF + b
                wait_scatter(lb_base_of(wid * LB_MAIN + i), b)
                start_gather(ltab, sidx_l, i + LB_NBUF, b)
            return carry

        lb_laps = LB_MAIN // LB_NBUF
        lax.fori_loop(0, lb_laps - 1, lb_lap, 0, unroll=False)
        for b in range(LB_NBUF):
            i = (lb_laps - 1) * LB_NBUF + b
            wait_gather(ltab, sidx_l, i, b)
            start_scatter(lb_base_of(wid * LB_MAIN + i), b)
        for b in range(LB_NBUF):
            wait_scatter(lb_base_of(wid * LB_MAIN + (lb_laps - 1) * LB_NBUF + b), b)

        @pl.when(wid < LB_TAIL)
        def _():
            start_gather(ltab, sidx_l, LB_MAIN, 0)
            wait_gather(ltab, sidx_l, LB_MAIN, 0)
            tb = lb_base_of(NW * LB_MAIN + wid)
            start_scatter(tb, 0)
            wait_scatter(tb, 0)

    return k


_KERNEL = _sc_gather_kernel()


def kernel(examples, labels, embeddings, label_embeddings):
    ex_src = examples.T.reshape(NW, EX_PER_W, CK)
    lb_flat = labels[:, : N - 1].T.reshape(LB_REAL, CK)
    lb_main = lb_flat[: NW * LB_MAIN].reshape(NW, LB_MAIN, CK)
    lb_tail = jnp.concatenate(
        [lb_flat[NW * LB_MAIN:],
         jnp.zeros((NW - LB_TAIL, CK), jnp.int32)]).reshape(NW, 1, CK)
    lb_src = jnp.concatenate([lb_main, lb_tail], axis=1)

    out = _KERNEL(embeddings, label_embeddings, ex_src, lb_src)
    return jnp.swapaxes(out.reshape(SEQ, S, D), 0, 1)

# --- scband reference (transcript-rebuilt; emitter-appended) ---
"""Pipeline reference for scband-omniglot-embedder-46067819217269 (READ-ONLY COPY).

The authoritative reference and input builder live on the scoring server;
editing this copy changes nothing except your own understanding.
"""

import jax, jax.numpy as jnp
import numpy as np

S = 1024
N = 50
D = 128
NUM_CLASSES = 100000
L = 1000

def setup_inputs(seed: int = 0) -> dict:
    key = jax.random.key(seed)
    k1, k2, k3, k4 = jax.random.split(key, 4)
    examples = jax.random.randint(k1, (S, 2 * N), 0, NUM_CLASSES, dtype=jnp.int64 if jax.config.jax_enable_x64 else jnp.int32).astype(jnp.int32)
    labels = jax.random.randint(k2, (S, N), 0, L, dtype=jnp.int32)
    embeddings = jax.random.normal(k3, (NUM_CLASSES, D), dtype=jnp.float32)
    label_embeddings = jax.random.normal(k4, (L, D), dtype=jnp.float32) / np.sqrt(D)
    return {"examples": examples, "labels": labels, "embeddings": embeddings, "label_embeddings": label_embeddings}

def reference(examples, labels, embeddings, label_embeddings):
    # Faithful translation of OmniglotEmbedder._forward_series with
    # add_pos_encodings=False, concatenate_embeddings=False.
    batch_size = examples.shape[0]
    seq_len = examples.shape[1] + labels.shape[1] - 1
    d = embeddings.shape[1]
    inputs = jnp.zeros((batch_size, seq_len, d), dtype=jnp.float32)
    # inputs[:, ::3, :] = embeddings[examples[:, ::2]]
    inputs = inputs.at[:, ::3, :].set(jnp.take(embeddings, examples[:, ::2], axis=0))
    # inputs[:, 1::3, :] = embeddings[examples[:, 1::2]]
    inputs = inputs.at[:, 1::3, :].set(jnp.take(embeddings, examples[:, 1::2], axis=0))
    # inputs[:, 2::3, :] = label_embeddings[labels[:, :-1]]
    inputs = inputs.at[:, 2::3, :].set(jnp.take(label_embeddings, labels[:, :-1], axis=0))
    return inputs

if __name__ == "__main__":
    import jax
    _d = setup_inputs()
    print(jax.jit(kernel)(*tuple(_d.values())))

</pallas_src>

<mosaic_0001>
#map = affine_map<(d0, d1) -> (0, 0)>
#map1 = affine_map<(d0, d1) -> (0, 0, 0)>
module attributes {stable_mosaic.version = 14 : i64} {
  func.func @k(%arg0: i32, %arg1: i32, %arg2: memref<100000x128xf32, #tpu.memory_space<hbm>>, %arg3: memref<1000x128xf32, #tpu.memory_space<hbm>>, %arg4: memref<32x25x128xi32, #tpu.memory_space<hbm>>, %arg5: memref<32x13x128xi32, #tpu.memory_space<hbm>>, %arg6: memref<152576x128xf32, #tpu.memory_space<hbm>>, %arg7: memref<128x128xf32, #tpu.memory_space<vmem>>, %arg8: memref<128x128xf32, #tpu.memory_space<vmem>>, %arg9: memref<128x128xf32, #tpu.memory_space<vmem>>, %arg10: memref<128x128xf32, #tpu.memory_space<vmem>>, %arg11: memref<128x128xf32, #tpu.memory_space<vmem>>, %arg12: memref<25x128xi32, #tpu.memory_space<vmem>>, %arg13: memref<13x128xi32, #tpu.memory_space<vmem>>, %arg14: memref<1000x128xf32, #tpu.memory_space<vmem_shared>>, %arg15: memref<!tpu.dma_semaphore, #tpu.memory_space<semaphore_mem>>, %arg16: memref<!tpu.dma_semaphore, #tpu.memory_space<semaphore_mem>>, %arg17: memref<!tpu.dma_semaphore, #tpu.memory_space<semaphore_mem>>, %arg18: memref<!tpu.dma_semaphore, #tpu.memory_space<semaphore_mem>>, %arg19: memref<!tpu.dma_semaphore, #tpu.memory_space<semaphore_mem>>, %arg20: memref<!tpu.dma_semaphore, #tpu.memory_space<semaphore_mem>>, %arg21: memref<!tpu.dma_semaphore, #tpu.memory_space<semaphore_mem>>, %arg22: memref<!tpu.dma_semaphore, #tpu.memory_space<semaphore_mem>>, %arg23: memref<!tpu.dma_semaphore, #tpu.memory_space<semaphore_mem>>, %arg24: memref<!tpu.dma_semaphore, #tpu.memory_space<semaphore_mem>>, %arg25: memref<!tpu.dma_semaphore, #tpu.memory_space<semaphore_mem>>, %arg26: memref<!tpu.dma_semaphore, #tpu.memory_space<semaphore_mem>>) attributes {dimension_semantics = [#tpu.dimension_semantics<core_parallel>, #tpu.dimension_semantics<subcore_parallel>], iteration_bounds = array<i64: 2, 16>, scalar_prefetch = 0 : i64, scratch_operands = 20 : i64, tpu.core_type = #tpu.core_type<sc_vector_subcore>, window_params = [{transform_indices = #map}, {transform_indices = #map}, {transform_indices = #map1}, {transform_indices = #map1}, {transform_indices = #map}]} {
    %mul3A = arith.constant 2 : i32
    %mul3A_0 = arith.muli %arg1, %mul3A : i32
    %add3A = arith.addi %mul3A_0, %arg0 : i32
    %eq3A = arith.constant 0 : i32
    %eq3A_1 = arith.cmpi eq, %arg1, %eq3A : i32
    %convert_element_type3A = arith.extui %eq3A_1 : i1 to i32
    %cond3A = arith.constant 0 : i32
    %cond3A_2 = arith.cmpi ne, %convert_element_type3A, %cond3A : i32
    scf.if %cond3A_2 {
      tpu.enqueue_dma source(%arg3 : memref<1000x128xf32, #tpu.memory_space<hbm>>) target(%arg14 : memref<1000x128xf32, #tpu.memory_space<vmem_shared>>) target_semaphore(%arg25 : memref<!tpu.dma_semaphore, #tpu.memory_space<semaphore_mem>>)
    } else {
    }
    %dma_start3A = arith.constant 0 : i32
    %dma_start3A_3 = arith.constant 0 : i32
    %dma_start3A_4 = tpu.memref_slice %arg5[%add3A, %dma_start3A, %dma_start3A_3] : memref<32x13x128xi32, #tpu.memory_space<hbm>> -> memref<1x13x128xi32, #tpu.memory_space<hbm>>
    %dma_start3A_5 = tpu.memref_squeeze %dma_start3A_4 : memref<1x13x128xi32, #tpu.memory_space<hbm>> -> memref<13x128xi32, #tpu.memory_space<hbm>>
    %dma_start3A_6 = arith.constant 0 : i32
    %dma_start3A_7 = arith.constant 0 : i32
    %dma_start3A_8 = tpu.memref_slice %arg5[%add3A, %dma_start3A_6, %dma_start3A_7] : memref<32x13x128xi32, #tpu.memory_space<hbm>> -> memref<1x13x128xi32, #tpu.memory_space<hbm>>
    %dma_start3A_9 = tpu.memref_squeeze %dma_start3A_8 : memref<1x13x128xi32, #tpu.memory_space<hbm>> -> memref<13x128xi32, #tpu.memory_space<hbm>>
    tpu.enqueue_dma source(%dma_start3A_9 : memref<13x128xi32, #tpu.memory_space<hbm>>) target(%arg13 : memref<13x128xi32, #tpu.memory_space<vmem>>) target_semaphore(%arg26 : memref<!tpu.dma_semaphore, #tpu.memory_space<semaphore_mem>>)
    "tpu.region"() ({
      %run_scoped3A = tpu.sem_alloc : memref<!tpu.dma_semaphore, #tpu.memory_space<semaphore_mem>>
      %dma_start3A_577 = arith.constant 0 : i32
      %dma_start3A_578 = arith.constant 0 : i32
      %dma_start3A_579 = tpu.memref_slice %arg4[%add3A, %dma_start3A_577, %dma_start3A_578] : memref<32x25x128xi32, #tpu.memory_space<hbm>> -> memref<1x25x128xi32, #tpu.memory_space<hbm>>
      %dma_start3A_580 = tpu.memref_squeeze %dma_start3A_579 : memref<1x25x128xi32, #tpu.memory_space<hbm>> -> memref<25x128xi32, #tpu.memory_space<hbm>>
      %dma_start3A_581 = arith.constant 0 : i32
      %dma_start3A_582 = arith.constant 0 : i32
      %dma_start3A_583 = tpu.memref_slice %arg4[%add3A, %dma_start3A_581, %dma_start3A_582] : memref<32x25x128xi32, #tpu.memory_space<hbm>> -> memref<1x25x128xi32, #tpu.memory_space<hbm>>
      %dma_start3A_584 = tpu.memref_squeeze %dma_start3A_583 : memref<1x25x128xi32, #tpu.memory_space<hbm>> -> memref<25x128xi32, #tpu.memory_space<hbm>>
      tpu.enqueue_dma source(%dma_start3A_584 : memref<25x128xi32, #tpu.memory_space<hbm>>) target(%arg12 : memref<25x128xi32, #tpu.memory_space<vmem>>) target_semaphore(%run_scoped3A : memref<!tpu.dma_semaphore, #tpu.memory_space<semaphore_mem>>)
      %dma_wait3A_585 = arith.constant 0 : i32
      %dma_wait3A_586 = arith.constant 0 : i32
      %dma_wait3A_587 = tpu.memref_slice %arg4[%add3A, %dma_wait3A_585, %dma_wait3A_586] : memref<32x25x128xi32, #tpu.memory_space<hbm>> -> memref<1x25x128xi32, #tpu.memory_space<hbm>>
      %dma_wait3A_588 = tpu.memref_squeeze %dma_wait3A_587 : memref<1x25x128xi32, #tpu.memory_space<hbm>> -> memref<25x128xi32, #tpu.memory_space<hbm>>
      %dma_wait3A_589 = arith.constant 0 : i32
      %dma_wait3A_590 = arith.constant 0 : i32
      %dma_wait3A_591 = tpu.memref_slice %arg4[%add3A, %dma_wait3A_589, %dma_wait3A_590] : memref<32x25x128xi32, #tpu.memory_space<hbm>> -> memref<1x25x128xi32, #tpu.memory_space<hbm>>
      %dma_wait3A_592 = tpu.memref_squeeze %dma_wait3A_591 : memref<1x25x128xi32, #tpu.memory_space<hbm>> -> memref<25x128xi32, #tpu.memory_space<hbm>>
      tpu.wait_dma2 semaphore(%run_scoped3A : memref<!tpu.dma_semaphore, #tpu.memory_space<semaphore_mem>>) src(%dma_wait3A_592 : memref<25x128xi32, #tpu.memory_space<hbm>>) dst(%arg12 : memref<25x128xi32, #tpu.memory_space<vmem>>)
      tpu.yield
    }) : () -> ()
    %dma_start3A_10 = arith.constant 0 : i32
    %dma_start3A_11 = arith.constant 0 : i32
    %dma_start3A_12 = tpu.memref_slice %arg12[%dma_start3A_10, %dma_start3A_11] : memref<25x128xi32, #tpu.memory_space<vmem>> -> memref<1x128xi32, #tpu.memory_space<vmem>>
    %dma_start3A_13 = tpu.memref_squeeze %dma_start3A_12 : memref<1x128xi32, #tpu.memory_space<vmem>> -> memref<128xi32, #tpu.memory_space<vmem>>
    %dma_start3A_14 = arith.constant 0 : i32
    %dma_start3A_15 = arith.constant 0 : i32
    %dma_start3A_16 = tpu.memref_slice %arg2[%dma_start3A_14, %dma_start3A_15] : memref<100000x128xf32, #tpu.memory_space<hbm>> -> memref<100000x128xf32, #tpu.memory_space<hbm>>
    tpu.enqueue_indirect_dma source(%dma_start3A_16 : memref<100000x128xf32, #tpu.memory_space<hbm>>) target(%arg7 : memref<128x128xf32, #tpu.memory_space<vmem>>) offsets(%dma_start3A_13 : memref<128xi32, #tpu.memory_space<vmem>>) semaphore(%arg15 : memref<!tpu.dma_semaphore, #tpu.memory_space<semaphore_mem>>)
    %dma_start3A_17 = arith.constant 1 : i32
    %dma_start3A_18 = arith.constant 0 : i32
    %dma_start3A_19 = tpu.memref_slice %arg12[%dma_start3A_17, %dma_start3A_18] : memref<25x128xi32, #tpu.memory_space<vmem>> -> memref<1x128xi32, #tpu.memory_space<vmem>>
    %dma_start3A_20 = tpu.memref_squeeze %dma_start3A_19 : memref<1x128xi32, #tpu.memory_space<vmem>> -> memref<128xi32, #tpu.memory_space<vmem>>
    %dma_start3A_21 = arith.constant 0 : i32
    %dma_start3A_22 = arith.constant 0 : i32
    %dma_start3A_23 = tpu.memref_slice %arg2[%dma_start3A_21, %dma_start3A_22] : memref<100000x128xf32, #tpu.memory_space<hbm>> -> memref<100000x128xf32, #tpu.memory_space<hbm>>
    tpu.enqueue_indirect_dma source(%dma_start3A_23 : memref<100000x128xf32, #tpu.memory_space<hbm>>) target(%arg8 : memref<128x128xf32, #tpu.memory_space<vmem>>) offsets(%dma_start3A_20 : memref<128xi32, #tpu.memory_space<vmem>>) semaphore(%arg16 : memref<!tpu.dma_semaphore, #tpu.memory_space<semaphore_mem>>)
    %dma_start3A_24 = arith.constant 2 : i32
    %dma_start3A_25 = arith.constant 0 : i32
    %dma_start3A_26 = tpu.memref_slice %arg12[%dma_start3A_24, %dma_start3A_25] : memref<25x128xi32, #tpu.memory_space<vmem>> -> memref<1x128xi32, #tpu.memory_space<vmem>>
    %dma_start3A_27 = tpu.memref_squeeze %dma_start3A_26 : memref<1x128xi32, #tpu.memory_space<vmem>> -> memref<128xi32, #tpu.memory_space<vmem>>
    %dma_start3A_28 = arith.constant 0 : i32
    %dma_start3A_29 = arith.constant 0 : i32
    %dma_start3A_30 = tpu.memref_slice %arg2[%dma_start3A_28, %dma_start3A_29] : memref<100000x128xf32, #tpu.memory_space<hbm>> -> memref<100000x128xf32, #tpu.memory_space<hbm>>
    tpu.enqueue_indirect_dma source(%dma_start3A_30 : memref<100000x128xf32, #tpu.memory_space<hbm>>) target(%arg9 : memref<128x128xf32, #tpu.memory_space<vmem>>) offsets(%dma_start3A_27 : memref<128xi32, #tpu.memory_space<vmem>>) semaphore(%arg17 : memref<!tpu.dma_semaphore, #tpu.memory_space<semaphore_mem>>)
    %dma_start3A_31 = arith.constant 3 : i32
    %dma_start3A_32 = arith.constant 0 : i32
    %dma_start3A_33 = tpu.memref_slice %arg12[%dma_start3A_31, %dma_start3A_32] : memref<25x128xi32, #tpu.memory_space<vmem>> -> memref<1x128xi32, #tpu.memory_space<vmem>>
    %dma_start3A_34 = tpu.memref_squeeze %dma_start3A_33 : memref<1x128xi32, #tpu.memory_space<vmem>> -> memref<128xi32, #tpu.memory_space<vmem>>
    %dma_start3A_35 = arith.constant 0 : i32
    %dma_start3A_36 = arith.constant 0 : i32
    %dma_start3A_37 = tpu.memref_slice %arg2[%dma_start3A_35, %dma_start3A_36] : memref<100000x128xf32, #tpu.memory_space<hbm>> -> memref<100000x128xf32, #tpu.memory_space<hbm>>
    tpu.enqueue_indirect_dma source(%dma_start3A_37 : memref<100000x128xf32, #tpu.memory_space<hbm>>) target(%arg10 : memref<128x128xf32, #tpu.memory_space<vmem>>) offsets(%dma_start3A_34 : memref<128xi32, #tpu.memory_space<vmem>>) semaphore(%arg18 : memref<!tpu.dma_semaphore, #tpu.memory_space<semaphore_mem>>)
    %dma_start3A_38 = arith.constant 4 : i32
    %dma_start3A_39 = arith.constant 0 : i32
    %dma_start3A_40 = tpu.memref_slice %arg12[%dma_start3A_38, %dma_start3A_39] : memref<25x128xi32, #tpu.memory_space<vmem>> -> memref<1x128xi32, #tpu.memory_space<vmem>>
    %dma_start3A_41 = tpu.memref_squeeze %dma_start3A_40 : memref<1x128xi32, #tpu.memory_space<vmem>> -> memref<128xi32, #tpu.memory_space<vmem>>
    %dma_start3A_42 = arith.constant 0 : i32
    %dma_start3A_43 = arith.constant 0 : i32
    %dma_start3A_44 = tpu.memref_slice %arg2[%dma_start3A_42, %dma_start3A_43] : memref<100000x128xf32, #tpu.memory_space<hbm>> -> memref<100000x128xf32, #tpu.memory_space<hbm>>
    tpu.enqueue_indirect_dma source(%dma_start3A_44 : memref<100000x128xf32, #tpu.memory_space<hbm>>) target(%arg11 : memref<128x128xf32, #tpu.memory_space<vmem>>) offsets(%dma_start3A_41 : memref<128xi32, #tpu.memory_space<vmem>>) semaphore(%arg19 : memref<!tpu.dma_semaphore, #tpu.memory_space<semaphore_mem>>)
    %scan3A = arith.constant 0 : i32
    %scan3A_45 = arith.constant 0 : i32
    %scan3A_46 = arith.constant 4 : i32
    %scan3A_47 = arith.addi %scan3A_45, %scan3A_46 : i32
    %scan3A_48 = arith.constant 1 : i32
    scf.for %scan3A_577 = %scan3A_45 to %scan3A_47 step %scan3A_48  : i32 {
      %mul3A_578 = arith.constant 5 : i32
      %mul3A_579 = arith.muli %scan3A_577, %mul3A_578 : i32
      %add3A_580 = arith.constant 0 : i32
      %add3A_581 = arith.addi %mul3A_579, %add3A_580 : i32
      %dma_wait3A_582 = arith.constant 0 : i32
      %dma_wait3A_583 = tpu.memref_slice %arg12[%add3A_581, %dma_wait3A_582] : memref<25x128xi32, #tpu.memory_space<vmem>> -> memref<1x128xi32, #tpu.memory_space<vmem>>
      %dma_wait3A_584 = tpu.memref_squeeze %dma_wait3A_583 : memref<1x128xi32, #tpu.memory_space<vmem>> -> memref<128xi32, #tpu.memory_space<vmem>>
      %dma_wait3A_585 = arith.constant 0 : i32
      %dma_wait3A_586 = arith.constant 0 : i32
      %dma_wait3A_587 = tpu.memref_slice %arg2[%dma_wait3A_585, %dma_wait3A_586] : memref<100000x128xf32, #tpu.memory_space<hbm>> -> memref<100000x128xf32, #tpu.memory_space<hbm>>
      tpu.wait_indirect_dma semaphore(%arg15 : memref<!tpu.dma_semaphore, #tpu.memory_space<semaphore_mem>>) src(%dma_wait3A_587 : memref<100000x128xf32, #tpu.memory_space<hbm>>) dst(%arg7 : memref<128x128xf32, #tpu.memory_space<vmem>>)
      %mul3A_588 = arith.constant 25 : i32
      %mul3A_589 = arith.muli %add3A, %mul3A_588 : i32
      %add3A_590 = arith.addi %mul3A_589, %add3A_581 : i32
      %shift_right_arithmetic3A_591 = arith.constant 3 : i32
      %shift_right_arithmetic3A_592 = arith.shrsi %add3A_590, %shift_right_arithmetic3A_591 : i32
      %and3A_593 = arith.constant 7 : i32
      %and3A_594 = arith.andi %add3A_590, %and3A_593 : i32
      %shift_right_arithmetic3A_595 = arith.constant 1 : i32
      %shift_right_arithmetic3A_596 = arith.shrsi %shift_right_arithmetic3A_592, %shift_right_arithmetic3A_595 : i32
      %mul3A_597 = arith.constant 3 : i32
      %mul3A_598 = arith.muli %mul3A_597, %shift_right_arithmetic3A_596 : i32
      %and3A_599 = arith.constant 1 : i32
      %and3A_600 = arith.andi %shift_right_arithmetic3A_592, %and3A_599 : i32
      %add3A_601 = arith.addi %mul3A_598, %and3A_600 : i32
      %mul3A_602 = arith.constant 1024 : i32
      %mul3A_603 = arith.muli %add3A_601, %mul3A_602 : i32
      %mul3A_604 = arith.constant 128 : i32
      %mul3A_605 = arith.muli %and3A_594, %mul3A_604 : i32
      %add3A_606 = arith.addi %mul3A_603, %mul3A_605 : i32
      %dma_start3A_607 = arith.constant 0 : i32
      %dma_start3A_608 = tpu.memref_slice %arg6[%add3A_606, %dma_start3A_607] : memref<152576x128xf32, #tpu.memory_space<hbm>> -> memref<128x128xf32, #tpu.memory_space<hbm>>
      %dma_start3A_609 = arith.constant 0 : i32
      %dma_start3A_610 = tpu.memref_slice %arg6[%add3A_606, %dma_start3A_609] : memref<152576x128xf32, #tpu.memory_space<hbm>> -> memref<128x128xf32, #tpu.memory_space<hbm>>
      tpu.enqueue_dma source(%arg7 : memref<128x128xf32, #tpu.memory_space<vmem>>) target(%dma_start3A_610 : memref<128x128xf32, #tpu.memory_space<hbm>>) target_semaphore(%arg20 : memref<!tpu.dma_semaphore, #tpu.memory_space<semaphore_mem>>)
      %mul3A_611 = arith.constant 5 : i32
      %mul3A_612 = arith.muli %scan3A_577, %mul3A_611 : i32
      %add3A_613 = arith.constant 1 : i32
      %add3A_614 = arith.addi %mul3A_612, %add3A_613 : i32
      %dma_wait3A_615 = arith.constant 0 : i32
      %dma_wait3A_616 = tpu.memref_slice %arg12[%add3A_614, %dma_wait3A_615] : memref<25x128xi32, #tpu.memory_space<vmem>> -> memref<1x128xi32, #tpu.memory_space<vmem>>
      %dma_wait3A_617 = tpu.memref_squeeze %dma_wait3A_616 : memref<1x128xi32, #tpu.memory_space<vmem>> -> memref<128xi32, #tpu.memory_space<vmem>>
      %dma_wait3A_618 = arith.constant 0 : i32
      %dma_wait3A_619 = arith.constant 0 : i32
      %dma_wait3A_620 = tpu.memref_slice %arg2[%dma_wait3A_618, %dma_wait3A_619] : memref<100000x128xf32, #tpu.memory_space<hbm>> -> memref<100000x128xf32, #tpu.memory_space<hbm>>
      tpu.wait_indirect_dma semaphore(%arg16 : memref<!tpu.dma_semaphore, #tpu.memory_space<semaphore_mem>>) src(%dma_wait3A_620 : memref<100000x128xf32, #tpu.memory_space<hbm>>) dst(%arg8 : memref<128x128xf32, #tpu.memory_space<vmem>>)
      %mul3A_621 = arith.constant 25 : i32
      %mul3A_622 = arith.muli %add3A, %mul3A_621 : i32
      %add3A_623 = arith.addi %mul3A_622, %add3A_614 : i32
      %shift_right_arithmetic3A_624 = arith.constant 3 : i32
      %shift_right_arithmetic3A_625 = arith.shrsi %add3A_623, %shift_right_arithmetic3A_624 : i32
      %and3A_626 = arith.constant 7 : i32
      %and3A_627 = arith.andi %add3A_623, %and3A_626 : i32
      %shift_right_arithmetic3A_628 = arith.constant 1 : i32
      %shift_right_arithmetic3A_629 = arith.shrsi %shift_right_arithmetic3A_625, %shift_right_arithmetic3A_628 : i32
      %mul3A_630 = arith.constant 3 : i32
      %mul3A_631 = arith.muli %mul3A_630, %shift_right_arithmetic3A_629 : i32
      %and3A_632 = arith.constant 1 : i32
      %and3A_633 = arith.andi %shift_right_arithmetic3A_625, %and3A_632 : i32
      %add3A_634 = arith.addi %mul3A_631, %and3A_633 : i32
      %mul3A_635 = arith.constant 1024 : i32
      %mul3A_636 = arith.muli %add3A_634, %mul3A_635 : i32
      %mul3A_637 = arith.constant 128 : i32
      %mul3A_638 = arith.muli %and3A_627, %mul3A_637 : i32
      %add3A_639 = arith.addi %mul3A_636, %mul3A_638 : i32
      %dma_start3A_640 = arith.constant 0 : i32
      %dma_start3A_641 = tpu.memref_slice %arg6[%add3A_639, %dma_start3A_640] : memref<152576x128xf32, #tpu.memory_space<hbm>> -> memref<128x128xf32, #tpu.memory_space<hbm>>
      %dma_start3A_642 = arith.constant 0 : i32
      %dma_start3A_643 = tpu.memref_slice %arg6[%add3A_639, %dma_start3A_642] : memref<152576x128xf32, #tpu.memory_space<hbm>> -> memref<128x128xf32, #tpu.memory_space<hbm>>
      tpu.enqueue_dma source(%arg8 : memref<128x128xf32, #tpu.memory_space<vmem>>) target(%dma_start3A_643 : memref<128x128xf32, #tpu.memory_space<hbm>>) target_semaphore(%arg21 : memref<!tpu.dma_semaphore, #tpu.memory_space<semaphore_mem>>)
      %mul3A_644 = arith.constant 5 : i32
      %mul3A_645 = arith.muli %scan3A_577, %mul3A_644 : i32
      %add3A_646 = arith.constant 2 : i32
      %add3A_647 = arith.addi %mul3A_645, %add3A_646 : i32
      %dma_wait3A_648 = arith.constant 0 : i32
      %dma_wait3A_649 = tpu.memref_slice %arg12[%add3A_647, %dma_wait3A_648] : memref<25x128xi32, #tpu.memory_space<vmem>> -> memref<1x128xi32, #tpu.memory_space<vmem>>
      %dma_wait3A_650 = tpu.memref_squeeze %dma_wait3A_649 : memref<1x128xi32, #tpu.memory_space<vmem>> -> memref<128xi32, #tpu.memory_space<vmem>>
      %dma_wait3A_651 = arith.constant 0 : i32
      %dma_wait3A_652 = arith.constant 0 : i32
      %dma_wait3A_653 = tpu.memref_slice %arg2[%dma_wait3A_651, %dma_wait3A_652] : memref<100000x128xf32, #tpu.memory_space<hbm>> -> memref<100000x128xf32, #tpu.memory_space<hbm>>
      tpu.wait_indirect_dma semaphore(%arg17 : memref<!tpu.dma_semaphore, #tpu.memory_space<semaphore_mem>>) src(%dma_wait3A_653 : memref<100000x128xf32, #tpu.memory_space<hbm>>) dst(%arg9 : memref<128x128xf32, #tpu.memory_space<vmem>>)
      %mul3A_654 = arith.constant 25 : i32
      %mul3A_655 = arith.muli %add3A, %mul3A_654 : i32
      %add3A_656 = arith.addi %mul3A_655, %add3A_647 : i32
      %shift_right_arithmetic3A_657 = arith.constant 3 : i32
      %shift_right_arithmetic3A_658 = arith.shrsi %add3A_656, %shift_right_arithmetic3A_657 : i32
      %and3A_659 = arith.constant 7 : i32
      %and3A_660 = arith.andi %add3A_656, %and3A_659 : i32
      %shift_right_arithmetic3A_661 = arith.constant 1 : i32
      %shift_right_arithmetic3A_662 = arith.shrsi %shift_right_arithmetic3A_658, %shift_right_arithmetic3A_661 : i32
      %mul3A_663 = arith.constant 3 : i32
      %mul3A_664 = arith.muli %mul3A_663, %shift_right_arithmetic3A_662 : i32
      %and3A_665 = arith.constant 1 : i32
      %and3A_666 = arith.andi %shift_right_arithmetic3A_658, %and3A_665 : i32
      %add3A_667 = arith.addi %mul3A_664, %and3A_666 : i32
      %mul3A_668 = arith.constant 1024 : i32
      %mul3A_669 = arith.muli %add3A_667, %mul3A_668 : i32
      %mul3A_670 = arith.constant 128 : i32
      %mul3A_671 = arith.muli %and3A_660, %mul3A_670 : i32
      %add3A_672 = arith.addi %mul3A_669, %mul3A_671 : i32
      %dma_start3A_673 = arith.constant 0 : i32
      %dma_start3A_674 = tpu.memref_slice %arg6[%add3A_672, %dma_start3A_673] : memref<152576x128xf32, #tpu.memory_space<hbm>> -> memref<128x128xf32, #tpu.memory_space<hbm>>
      %dma_start3A_675 = arith.constant 0 : i32
      %dma_start3A_676 = tpu.memref_slice %arg6[%add3A_672, %dma_start3A_675] : memref<152576x128xf32, #tpu.memory_space<hbm>> -> memref<128x128xf32, #tpu.memory_space<hbm>>
      tpu.enqueue_dma source(%arg9 : memref<128x128xf32, #tpu.memory_space<vmem>>) target(%dma_start3A_676 : memref<128x128xf32, #tpu.memory_space<hbm>>) target_semaphore(%arg22 : memref<!tpu.dma_semaphore, #tpu.memory_space<semaphore_mem>>)
      %mul3A_677 = arith.constant 5 : i32
      %mul3A_678 = arith.muli %scan3A_577, %mul3A_677 : i32
      %add3A_679 = arith.constant 3 : i32
      %add3A_680 = arith.addi %mul3A_678, %add3A_679 : i32
      %dma_wait3A_681 = arith.constant 0 : i32
      %dma_wait3A_682 = tpu.memref_slice %arg12[%add3A_680, %dma_wait3A_681] : memref<25x128xi32, #tpu.memory_space<vmem>> -> memref<1x128xi32, #tpu.memory_space<vmem>>
      %dma_wait3A_683 = tpu.memref_squeeze %dma_wait3A_682 : memref<1x128xi32, #tpu.memory_space<vmem>> -> memref<128xi32, #tpu.memory_space<vmem>>
      %dma_wait3A_684 = arith.constant 0 : i32
      %dma_wait3A_685 = arith.constant 0 : i32
      %dma_wait3A_686 = tpu.memref_slice %arg2[%dma_wait3A_684, %dma_wait3A_685] : memref<100000x128xf32, #tpu.memory_space<hbm>> -> memref<100000x128xf32, #tpu.memory_space<hbm>>
      tpu.wait_indirect_dma semaphore(%arg18 : memref<!tpu.dma_semaphore, #tpu.memory_space<semaphore_mem>>) src(%dma_wait3A_686 : memref<100000x128xf32, #tpu.memory_space<hbm>>) dst(%arg10 : memref<128x128xf32, #tpu.memory_space<vmem>>)
      %mul3A_687 = arith.constant 25 : i32
      %mul3A_688 = arith.muli %add3A, %mul3A_687 : i32
      %add3A_689 = arith.addi %mul3A_688, %add3A_680 : i32
      %shift_right_arithmetic3A_690 = arith.constant 3 : i32
      %shift_right_arithmetic3A_691 = arith.shrsi %add3A_689, %shift_right_arithmetic3A_690 : i32
      %and3A_692 = arith.constant 7 : i32
      %and3A_693 = arith.andi %add3A_689, %and3A_692 : i32
      %shift_right_arithmetic3A_694 = arith.constant 1 : i32
      %shift_right_arithmetic3A_695 = arith.shrsi %shift_right_arithmetic3A_691, %shift_right_arithmetic3A_694 : i32
      %mul3A_696 = arith.constant 3 : i32
      %mul3A_697 = arith.muli %mul3A_696, %shift_right_arithmetic3A_695 : i32
      %and3A_698 = arith.constant 1 : i32
      %and3A_699 = arith.andi %shift_right_arithmetic3A_691, %and3A_698 : i32
      %add3A_700 = arith.addi %mul3A_697, %and3A_699 : i32
      %mul3A_701 = arith.constant 1024 : i32
      %mul3A_702 = arith.muli %add3A_700, %mul3A_701 : i32
      %mul3A_703 = arith.constant 128 : i32
      %mul3A_704 = arith.muli %and3A_693, %mul3A_703 : i32
      %add3A_705 = arith.addi %mul3A_702, %mul3A_704 : i32
      %dma_start3A_706 = arith.constant 0 : i32
      %dma_start3A_707 = tpu.memref_slice %arg6[%add3A_705, %dma_start3A_706] : memref<152576x128xf32, #tpu.memory_space<hbm>> -> memref<128x128xf32, #tpu.memory_space<hbm>>
      %dma_start3A_708 = arith.constant 0 : i32
      %dma_start3A_709 = tpu.memref_slice %arg6[%add3A_705, %dma_start3A_708] : memref<152576x128xf32, #tpu.memory_space<hbm>> -> memref<128x128xf32, #tpu.memory_space<hbm>>
      tpu.enqueue_dma source(%arg10 : memref<128x128xf32, #tpu.memory_space<vmem>>) target(%dma_start3A_709 : memref<128x128xf32, #tpu.memory_space<hbm>>) target_semaphore(%arg23 : memref<!tpu.dma_semaphore, #tpu.memory_space<semaphore_mem>>)
      %mul3A_710 = arith.constant 5 : i32
      %mul3A_711 = arith.muli %scan3A_577, %mul3A_710 : i32
      %add3A_712 = arith.constant 4 : i32
      %add3A_713 = arith.addi %mul3A_711, %add3A_712 : i32
      %dma_wait3A_714 = arith.constant 0 : i32
      %dma_wait3A_715 = tpu.memref_slice %arg12[%add3A_713, %dma_wait3A_714] : memref<25x128xi32, #tpu.memory_space<vmem>> -> memref<1x128xi32, #tpu.memory_space<vmem>>
      %dma_wait3A_716 = tpu.memref_squeeze %dma_wait3A_715 : memref<1x128xi32, #tpu.memory_space<vmem>> -> memref<128xi32, #tpu.memory_space<vmem>>
      %dma_wait3A_717 = arith.constant 0 : i32
      %dma_wait3A_718 = arith.constant 0 : i32
      %dma_wait3A_719 = tpu.memref_slice %arg2[%dma_wait3A_717, %dma_wait3A_718] : memref<100000x128xf32, #tpu.memory_space<hbm>> -> memref<100000x128xf32, #tpu.memory_space<hbm>>
      tpu.wait_indirect_dma semaphore(%arg19 : memref<!tpu.dma_semaphore, #tpu.memory_space<semaphore_mem>>) src(%dma_wait3A_719 : memref<100000x128xf32, #tpu.memory_space<hbm>>) dst(%arg11 : memref<128x128xf32, #tpu.memory_space<vmem>>)
      %mul3A_720 = arith.constant 25 : i32
      %mul3A_721 = arith.muli %add3A, %mul3A_720 : i32
      %add3A_722 = arith.addi %mul3A_721, %add3A_713 : i32
      %shift_right_arithmetic3A_723 = arith.constant 3 : i32
      %shift_right_arithmetic3A_724 = arith.shrsi %add3A_722, %shift_right_arithmetic3A_723 : i32
      %and3A_725 = arith.constant 7 : i32
      %and3A_726 = arith.andi %add3A_722, %and3A_725 : i32
      %shift_right_arithmetic3A_727 = arith.constant 1 : i32
      %shift_right_arithmetic3A_728 = arith.shrsi %shift_right_arithmetic3A_724, %shift_right_arithmetic3A_727 : i32
      %mul3A_729 = arith.constant 3 : i32
      %mul3A_730 = arith.muli %mul3A_729, %shift_right_arithmetic3A_728 : i32
      %and3A_731 = arith.constant 1 : i32
      %and3A_732 = arith.andi %shift_right_arithmetic3A_724, %and3A_731 : i32
      %add3A_733 = arith.addi %mul3A_730, %and3A_732 : i32
      %mul3A_734 = arith.constant 1024 : i32
      %mul3A_735 = arith.muli %add3A_733, %mul3A_734 : i32
      %mul3A_736 = arith.constant 128 : i32
      %mul3A_737 = arith.muli %and3A_726, %mul3A_736 : i32
      %add3A_738 = arith.addi %mul3A_735, %mul3A_737 : i32
      %dma_start3A_739 = arith.constant 0 : i32
      %dma_start3A_740 = tpu.memref_slice %arg6[%add3A_738, %dma_start3A_739] : memref<152576x128xf32, #tpu.memory_space<hbm>> -> memref<128x128xf32, #tpu.memory_space<hbm>>
      %dma_start3A_741 = arith.constant 0 : i32
      %dma_start3A_742 = tpu.memref_slice %arg6[%add3A_738, %dma_start3A_741] : memref<152576x128xf32, #tpu.memory_space<hbm>> -> memref<128x128xf32, #tpu.memory_space<hbm>>
      tpu.enqueue_dma source(%arg11 : memref<128x128xf32, #tpu.memory_space<vmem>>) target(%dma_start3A_742 : memref<128x128xf32, #tpu.memory_space<hbm>>) target_semaphore(%arg24 : memref<!tpu.dma_semaphore, #tpu.memory_space<semaphore_mem>>)
      %mul3A_743 = arith.constant 5 : i32
      %mul3A_744 = arith.muli %scan3A_577, %mul3A_743 : i32
      %add3A_745 = arith.constant 0 : i32
      %add3A_746 = arith.addi %mul3A_744, %add3A_745 : i32
      %mul3A_747 = arith.constant 25 : i32
      %mul3A_748 = arith.muli %add3A, %mul3A_747 : i32
      %add3A_749 = arith.addi %mul3A_748, %add3A_746 : i32
      %shift_right_arithmetic3A_750 = arith.constant 3 : i32
      %shift_right_arithmetic3A_751 = arith.shrsi %add3A_749, %shift_right_arithmetic3A_750 : i32
      %and3A_752 = arith.constant 7 : i32
      %and3A_753 = arith.andi %add3A_749, %and3A_752 : i32
      %shift_right_arithmetic3A_754 = arith.constant 1 : i32
      %shift_right_arithmetic3A_755 = arith.shrsi %shift_right_arithmetic3A_751, %shift_right_arithmetic3A_754 : i32
      %mul3A_756 = arith.constant 3 : i32
      %mul3A_757 = arith.muli %mul3A_756, %shift_right_arithmetic3A_755 : i32
      %and3A_758 = arith.constant 1 : i32
      %and3A_759 = arith.andi %shift_right_arithmetic3A_751, %and3A_758 : i32
      %add3A_760 = arith.addi %mul3A_757, %and3A_759 : i32
      %mul3A_761 = arith.constant 1024 : i32
      %mul3A_762 = arith.muli %add3A_760, %mul3A_761 : i32
      %mul3A_763 = arith.constant 128 : i32
      %mul3A_764 = arith.muli %and3A_753, %mul3A_763 : i32
      %add3A_765 = arith.addi %mul3A_762, %mul3A_764 : i32
      %dma_wait3A_766 = arith.constant 0 : i32
      %dma_wait3A_767 = tpu.memref_slice %arg6[%add3A_765, %dma_wait3A_766] : memref<152576x128xf32, #tpu.memory_space<hbm>> -> memref<128x128xf32, #tpu.memory_space<hbm>>
      %dma_wait3A_768 = arith.constant 0 : i32
      %dma_wait3A_769 = tpu.memref_slice %arg6[%add3A_765, %dma_wait3A_768] : memref<152576x128xf32, #tpu.memory_space<hbm>> -> memref<128x128xf32, #tpu.memory_space<hbm>>
      tpu.wait_dma2 semaphore(%arg20 : memref<!tpu.dma_semaphore, #tpu.memory_space<semaphore_mem>>) src(%arg7 : memref<128x128xf32, #tpu.memory_space<vmem>>) dst(%dma_wait3A_769 : memref<128x128xf32, #tpu.memory_space<hbm>>)
      %add3A_770 = arith.constant 5 : i32
      %add3A_771 = arith.addi %add3A_746, %add3A_770 : i32
      %dma_start3A_772 = arith.constant 0 : i32
      %dma_start3A_773 = tpu.memref_slice %arg12[%add3A_771, %dma_start3A_772] : memref<25x128xi32, #tpu.memory_space<vmem>> -> memref<1x128xi32, #tpu.memory_space<vmem>>
      %dma_start3A_774 = tpu.memref_squeeze %dma_start3A_773 : memref<1x128xi32, #tpu.memory_space<vmem>> -> memref<128xi32, #tpu.memory_space<vmem>>
      %dma_start3A_775 = arith.constant 0 : i32
      %dma_start3A_776 = arith.constant 0 : i32
      %dma_start3A_777 = tpu.memref_slice %arg2[%dma_start3A_775, %dma_start3A_776] : memref<100000x128xf32, #tpu.memory_space<hbm>> -> memref<100000x128xf32, #tpu.memory_space<hbm>>
      tpu.enqueue_indirect_dma source(%dma_start3A_777 : memref<100000x128xf32, #tpu.memory_space<hbm>>) target(%arg7 : memref<128x128xf32, #tpu.memory_space<vmem>>) offsets(%dma_start3A_774 : memref<128xi32, #tpu.memory_space<vmem>>) semaphore(%arg15 : memref<!tpu.dma_semaphore, #tpu.memory_space<semaphore_mem>>)
      %mul3A_778 = arith.constant 5 : i32
      %mul3A_779 = arith.muli %scan3A_577, %mul3A_778 : i32
      %add3A_780 = arith.constant 1 : i32
      %add3A_781 = arith.addi %mul3A_779, %add3A_780 : i32
      %mul3A_782 = arith.constant 25 : i32
      %mul3A_783 = arith.muli %add3A, %mul3A_782 : i32
      %add3A_784 = arith.addi %mul3A_783, %add3A_781 : i32
      %shift_right_arithmetic3A_785 = arith.constant 3 : i32
      %shift_right_arithmetic3A_786 = arith.shrsi %add3A_784, %shift_right_arithmetic3A_785 : i32
      %and3A_787 = arith.constant 7 : i32
      %and3A_788 = arith.andi %add3A_784, %and3A_787 : i32
      %shift_right_arithmetic3A_789 = arith.constant 1 : i32
      %shift_right_arithmetic3A_790 = arith.shrsi %shift_right_arithmetic3A_786, %shift_right_arithmetic3A_789 : i32
      %mul3A_791 = arith.constant 3 : i32
      %mul3A_792 = arith.muli %mul3A_791, %shift_right_arithmetic3A_790 : i32
      %and3A_793 = arith.constant 1 : i32
      %and3A_794 = arith.andi %shift_right_arithmetic3A_786, %and3A_793 : i32
      %add3A_795 = arith.addi %mul3A_792, %and3A_794 : i32
      %mul3A_796 = arith.constant 1024 : i32
      %mul3A_797 = arith.muli %add3A_795, %mul3A_796 : i32
      %mul3A_798 = arith.constant 128 : i32
      %mul3A_799 = arith.muli %and3A_788, %mul3A_798 : i32
      %add3A_800 = arith.addi %mul3A_797, %mul3A_799 : i32
      %dma_wait3A_801 = arith.constant 0 : i32
      %dma_wait3A_802 = tpu.memref_slice %arg6[%add3A_800, %dma_wait3A_801] : memref<152576x128xf32, #tpu.memory_space<hbm>> -> memref<128x128xf32, #tpu.memory_space<hbm>>
      %dma_wait3A_803 = arith.constant 0 : i32
      %dma_wait3A_804 = tpu.memref_slice %arg6[%add3A_800, %dma_wait3A_803] : memref<152576x128xf32, #tpu.memory_space<hbm>> -> memref<128x128xf32, #tpu.memory_space<hbm>>
      tpu.wait_dma2 semaphore(%arg21 : memref<!tpu.dma_semaphore, #tpu.memory_space<semaphore_mem>>) src(%arg8 : memref<128x128xf32, #tpu.memory_space<vmem>>) dst(%dma_wait3A_804 : memref<128x128xf32, #tpu.memory_space<hbm>>)
      %add3A_805 = arith.constant 5 : i32
      %add3A_806 = arith.addi %add3A_781, %add3A_805 : i32
      %dma_start3A_807 = arith.constant 0 : i32
      %dma_start3A_808 = tpu.memref_slice %arg12[%add3A_806, %dma_start3A_807] : memref<25x128xi32, #tpu.memory_space<vmem>> -> memref<1x128xi32, #tpu.memory_space<vmem>>
      %dma_start3A_809 = tpu.memref_squeeze %dma_start3A_808 : memref<1x128xi32, #tpu.memory_space<vmem>> -> memref<128xi32, #tpu.memory_space<vmem>>
      %dma_start3A_810 = arith.constant 0 : i32
      %dma_start3A_811 = arith.constant 0 : i32
      %dma_start3A_812 = tpu.memref_slice %arg2[%dma_start3A_810, %dma_start3A_811] : memref<100000x128xf32, #tpu.memory_space<hbm>> -> memref<100000x128xf32, #tpu.memory_space<hbm>>
      tpu.enqueue_indirect_dma source(%dma_start3A_812 : memref<100000x128xf32, #tpu.memory_space<hbm>>) target(%arg8 : memref<128x128xf32, #tpu.memory_space<vmem>>) offsets(%dma_start3A_809 : memref<128xi32, #tpu.memory_space<vmem>>) semaphore(%arg16 : memref<!tpu.dma_semaphore, #tpu.memory_space<semaphore_mem>>)
      %mul3A_813 = arith.constant 5 : i32
      %mul3A_814 = arith.muli %scan3A_577, %mul3A_813 : i32
      %add3A_815 = arith.constant 2 : i32
      %add3A_816 = arith.addi %mul3A_814, %add3A_815 : i32
      %mul3A_817 = arith.constant 25 : i32
      %mul3A_818 = arith.muli %add3A, %mul3A_817 : i32
      %add3A_819 = arith.addi %mul3A_818, %add3A_816 : i32
      %shift_right_arithmetic3A_820 = arith.constant 3 : i32
      %shift_right_arithmetic3A_821 = arith.shrsi %add3A_819, %shift_right_arithmetic3A_820 : i32
      %and3A_822 = arith.constant 7 : i32
      %and3A_823 = arith.andi %add3A_819, %and3A_822 : i32
      %shift_right_arithmetic3A_824 = arith.constant 1 : i32
      %shift_right_arithmetic3A_825 = arith.shrsi %shift_right_arithmetic3A_821, %shift_right_arithmetic3A_824 : i32
      %mul3A_826 = arith.constant 3 : i32
      %mul3A_827 = arith.muli %mul3A_826, %shift_right_arithmetic3A_825 : i32
      %and3A_828 = arith.constant 1 : i32
      %and3A_829 = arith.andi %shift_right_arithmetic3A_821, %and3A_828 : i32
      %add3A_830 = arith.addi %mul3A_827, %and3A_829 : i32
      %mul3A_831 = arith.constant 1024 : i32
      %mul3A_832 = arith.muli %add3A_830, %mul3A_831 : i32
      %mul3A_833 = arith.constant 128 : i32
      %mul3A_834 = arith.muli %and3A_823, %mul3A_833 : i32
      %add3A_835 = arith.addi %mul3A_832, %mul3A_834 : i32
      %dma_wait3A_836 = arith.constant 0 : i32
      %dma_wait3A_837 = tpu.memref_slice %arg6[%add3A_835, %dma_wait3A_836] : memref<152576x128xf32, #tpu.memory_space<hbm>> -> memref<128x128xf32, #tpu.memory_space<hbm>>
      %dma_wait3A_838 = arith.constant 0 : i32
      %dma_wait3A_839 = tpu.memref_slice %arg6[%add3A_835, %dma_wait3A_838] : memref<152576x128xf32, #tpu.memory_space<hbm>> -> memref<128x128xf32, #tpu.memory_space<hbm>>
      tpu.wait_dma2 semaphore(%arg22 : memref<!tpu.dma_semaphore, #tpu.memory_space<semaphore_mem>>) src(%arg9 : memref<128x128xf32, #tpu.memory_space<vmem>>) dst(%dma_wait3A_839 : memref<128x128xf32, #tpu.memory_space<hbm>>)
      %add3A_840 = arith.constant 5 : i32
      %add3A_841 = arith.addi %add3A_816, %add3A_840 : i32
      %dma_start3A_842 = arith.constant 0 : i32
      %dma_start3A_843 = tpu.memref_slice %arg12[%add3A_841, %dma_start3A_842] : memref<25x128xi32, #tpu.memory_space<vmem>> -> memref<1x128xi32, #tpu.memory_space<vmem>>
      %dma_start3A_844 = tpu.memref_squeeze %dma_start3A_843 : memref<1x128xi32, #tpu.memory_space<vmem>> -> memref<128xi32, #tpu.memory_space<vmem>>
      %dma_start3A_845 = arith.constant 0 : i32
      %dma_start3A_846 = arith.constant 0 : i32
      %dma_start3A_847 = tpu.memref_slice %arg2[%dma_start3A_845, %dma_start3A_846] : memref<100000x128xf32, #tpu.memory_space<hbm>> -> memref<100000x128xf32, #tpu.memory_space<hbm>>
      tpu.enqueue_indirect_dma source(%dma_start3A_847 : memref<100000x128xf32, #tpu.memory_space<hbm>>) target(%arg9 : memref<128x128xf32, #tpu.memory_space<vmem>>) offsets(%dma_start3A_844 : memref<128xi32, #tpu.memory_space<vmem>>) semaphore(%arg17 : memref<!tpu.dma_semaphore, #tpu.memory_space<semaphore_mem>>)
      %mul3A_848 = arith.constant 5 : i32
      %mul3A_849 = arith.muli %scan3A_577, %mul3A_848 : i32
      %add3A_850 = arith.constant 3 : i32
      %add3A_851 = arith.addi %mul3A_849, %add3A_850 : i32
      %mul3A_852 = arith.constant 25 : i32
      %mul3A_853 = arith.muli %add3A, %mul3A_852 : i32
      %add3A_854 = arith.addi %mul3A_853, %add3A_851 : i32
      %shift_right_arithmetic3A_855 = arith.constant 3 : i32
      %shift_right_arithmetic3A_856 = arith.shrsi %add3A_854, %shift_right_arithmetic3A_855 : i32
      %and3A_857 = arith.constant 7 : i32
      %and3A_858 = arith.andi %add3A_854, %and3A_857 : i32
      %shift_right_arithmetic3A_859 = arith.constant 1 : i32
      %shift_right_arithmetic3A_860 = arith.shrsi %shift_right_arithmetic3A_856, %shift_right_arithmetic3A_859 : i32
      %mul3A_861 = arith.constant 3 : i32
      %mul3A_862 = arith.muli %mul3A_861, %shift_right_arithmetic3A_860 : i32
      %and3A_863 = arith.constant 1 : i32
      %and3A_864 = arith.andi %shift_right_arithmetic3A_856, %and3A_863 : i32
      %add3A_865 = arith.addi %mul3A_862, %and3A_864 : i32
      %mul3A_866 = arith.constant 1024 : i32
      %mul3A_867 = arith.muli %add3A_865, %mul3A_866 : i32
      %mul3A_868 = arith.constant 128 : i32
      %mul3A_869 = arith.muli %and3A_858, %mul3A_868 : i32
      %add3A_870 = arith.addi %mul3A_867, %mul3A_869 : i32
      %dma_wait3A_871 = arith.constant 0 : i32
      %dma_wait3A_872 = tpu.memref_slice %arg6[%add3A_870, %dma_wait3A_871] : memref<152576x128xf32, #tpu.memory_space<hbm>> -> memref<128x128xf32, #tpu.memory_space<hbm>>
      %dma_wait3A_873 = arith.constant 0 : i32
      %dma_wait3A_874 = tpu.memref_slice %arg6[%add3A_870, %dma_wait3A_873] : memref<152576x128xf32, #tpu.memory_space<hbm>> -> memref<128x128xf32, #tpu.memory_space<hbm>>
      tpu.wait_dma2 semaphore(%arg23 : memref<!tpu.dma_semaphore, #tpu.memory_space<semaphore_mem>>) src(%arg10 : memref<128x128xf32, #tpu.memory_space<vmem>>) dst(%dma_wait3A_874 : memref<128x128xf32, #tpu.memory_space<hbm>>)
      %add3A_875 = arith.constant 5 : i32
      %add3A_876 = arith.addi %add3A_851, %add3A_875 : i32
      %dma_start3A_877 = arith.constant 0 : i32
      %dma_start3A_878 = tpu.memref_slice %arg12[%add3A_876, %dma_start3A_877] : memref<25x128xi32, #tpu.memory_space<vmem>> -> memref<1x128xi32, #tpu.memory_space<vmem>>
      %dma_start3A_879 = tpu.memref_squeeze %dma_start3A_878 : memref<1x128xi32, #tpu.memory_space<vmem>> -> memref<128xi32, #tpu.memory_space<vmem>>
      %dma_start3A_880 = arith.constant 0 : i32
      %dma_start3A_881 = arith.constant 0 : i32
      %dma_start3A_882 = tpu.memref_slice %arg2[%dma_start3A_880, %dma_start3A_881] : memref<100000x128xf32, #tpu.memory_space<hbm>> -> memref<100000x128xf32, #tpu.memory_space<hbm>>
      tpu.enqueue_indirect_dma source(%dma_start3A_882 : memref<100000x128xf32, #tpu.memory_space<hbm>>) target(%arg10 : memref<128x128xf32, #tpu.memory_space<vmem>>) offsets(%dma_start3A_879 : memref<128xi32, #tpu.memory_space<vmem>>) semaphore(%arg18 : memref<!tpu.dma_semaphore, #tpu.memory_space<semaphore_mem>>)
      %mul3A_883 = arith.constant 5 : i32
      %mul3A_884 = arith.muli %scan3A_577, %mul3A_883 : i32
      %add3A_885 = arith.constant 4 : i32
      %add3A_886 = arith.addi %mul3A_884, %add3A_885 : i32
      %mul3A_887 = arith.constant 25 : i32
      %mul3A_888 = arith.muli %add3A, %mul3A_887 : i32
      %add3A_889 = arith.addi %mul3A_888, %add3A_886 : i32
      %shift_right_arithmetic3A_890 = arith.constant 3 : i32
      %shift_right_arithmetic3A_891 = arith.shrsi %add3A_889, %shift_right_arithmetic3A_890 : i32
      %and3A_892 = arith.constant 7 : i32
      %and3A_893 = arith.andi %add3A_889, %and3A_892 : i32
      %shift_right_arithmetic3A_894 = arith.constant 1 : i32
      %shift_right_arithmetic3A_895 = arith.shrsi %shift_right_arithmetic3A_891, %shift_right_arithmetic3A_894 : i32
      %mul3A_896 = arith.constant 3 : i32
      %mul3A_897 = arith.muli %mul3A_896, %shift_right_arithmetic3A_895 : i32
      %and3A_898 = arith.constant 1 : i32
      %and3A_899 = arith.andi %shift_right_arithmetic3A_891, %and3A_898 : i32
      %add3A_900 = arith.addi %mul3A_897, %and3A_899 : i32
      %mul3A_901 = arith.constant 1024 : i32
      %mul3A_902 = arith.muli %add3A_900, %mul3A_901 : i32
      %mul3A_903 = arith.constant 128 : i32
      %mul3A_904 = arith.muli %and3A_893, %mul3A_903 : i32
      %add3A_905 = arith.addi %mul3A_902, %mul3A_904 : i32
      %dma_wait3A_906 = arith.constant 0 : i32
      %dma_wait3A_907 = tpu.memref_slice %arg6[%add3A_905, %dma_wait3A_906] : memref<152576x128xf32, #tpu.memory_space<hbm>> -> memref<128x128xf32, #tpu.memory_space<hbm>>
      %dma_wait3A_908 = arith.constant 0 : i32
      %dma_wait3A_909 = tpu.memref_slice %arg6[%add3A_905, %dma_wait3A_908] : memref<152576x128xf32, #tpu.memory_space<hbm>> -> memref<128x128xf32, #tpu.memory_space<hbm>>
      tpu.wait_dma2 semaphore(%arg24 : memref<!tpu.dma_semaphore, #tpu.memory_space<semaphore_mem>>) src(%arg11 : memref<128x128xf32, #tpu.memory_space<vmem>>) dst(%dma_wait3A_909 : memref<128x128xf32, #tpu.memory_space<hbm>>)
      %add3A_910 = arith.constant 5 : i32
      %add3A_911 = arith.addi %add3A_886, %add3A_910 : i32
      %dma_start3A_912 = arith.constant 0 : i32
      %dma_start3A_913 = tpu.memref_slice %arg12[%add3A_911, %dma_start3A_912] : memref<25x128xi32, #tpu.memory_space<vmem>> -> memref<1x128xi32, #tpu.memory_space<vmem>>
      %dma_start3A_914 = tpu.memref_squeeze %dma_start3A_913 : memref<1x128xi32, #tpu.memory_space<vmem>> -> memref<128xi32, #tpu.memory_space<vmem>>
      %dma_start3A_915 = arith.constant 0 : i32
      %dma_start3A_916 = arith.constant 0 : i32
      %dma_start3A_917 = tpu.memref_slice %arg2[%dma_start3A_915, %dma_start3A_916] : memref<100000x128xf32, #tpu.memory_space<hbm>> -> memref<100000x128xf32, #tpu.memory_space<hbm>>
      tpu.enqueue_indirect_dma source(%dma_start3A_917 : memref<100000x128xf32, #tpu.memory_space<hbm>>) target(%arg11 : memref<128x128xf32, #tpu.memory_space<vmem>>) offsets(%dma_start3A_914 : memref<128xi32, #tpu.memory_space<vmem>>) semaphore(%arg19 : memref<!tpu.dma_semaphore, #tpu.memory_space<semaphore_mem>>)
    }
    %scan3A_49 = arith.constant 4 : i32
    %dma_wait3A = arith.constant 20 : i32
    %dma_wait3A_50 = arith.constant 0 : i32
    %dma_wait3A_51 = tpu.memref_slice %arg12[%dma_wait3A, %dma_wait3A_50] : memref<25x128xi32, #tpu.memory_space<vmem>> -> memref<1x128xi32, #tpu.memory_space<vmem>>
    %dma_wait3A_52 = tpu.memref_squeeze %dma_wait3A_51 : memref<1x128xi32, #tpu.memory_space<vmem>> -> memref<128xi32, #tpu.memory_space<vmem>>
    %dma_wait3A_53 = arith.constant 0 : i32
    %dma_wait3A_54 = arith.constant 0 : i32
    %dma_wait3A_55 = tpu.memref_slice %arg2[%dma_wait3A_53, %dma_wait3A_54] : memref<100000x128xf32, #tpu.memory_space<hbm>> -> memref<100000x128xf32, #tpu.memory_space<hbm>>
    tpu.wait_indirect_dma semaphore(%arg15 : memref<!tpu.dma_semaphore, #tpu.memory_space<semaphore_mem>>) src(%dma_wait3A_55 : memref<100000x128xf32, #tpu.memory_space<hbm>>) dst(%arg7 : memref<128x128xf32, #tpu.memory_space<vmem>>)
    %mul3A_56 = arith.constant 25 : i32
    %mul3A_57 = arith.muli %add3A, %mul3A_56 : i32
    %add3A_58 = arith.constant 20 : i32
    %add3A_59 = arith.addi %mul3A_57, %add3A_58 : i32
    %shift_right_arithmetic3A = arith.constant 3 : i32
    %shift_right_arithmetic3A_60 = arith.shrsi %add3A_59, %shift_right_arithmetic3A : i32
    %and3A = arith.constant 7 : i32
    %and3A_61 = arith.andi %add3A_59, %and3A : i32
    %shift_right_arithmetic3A_62 = arith.constant 1 : i32
    %shift_right_arithmetic3A_63 = arith.shrsi %shift_right_arithmetic3A_60, %shift_right_arithmetic3A_62 : i32
    %mul3A_64 = arith.constant 3 : i32
    %mul3A_65 = arith.muli %mul3A_64, %shift_right_arithmetic3A_63 : i32
    %and3A_66 = arith.constant 1 : i32
    %and3A_67 = arith.andi %shift_right_arithmetic3A_60, %and3A_66 : i32
    %add3A_68 = arith.addi %mul3A_65, %and3A_67 : i32
    %mul3A_69 = arith.constant 1024 : i32
    %mul3A_70 = arith.muli %add3A_68, %mul3A_69 : i32
    %mul3A_71 = arith.constant 128 : i32
    %mul3A_72 = arith.muli %and3A_61, %mul3A_71 : i32
    %add3A_73 = arith.addi %mul3A_70, %mul3A_72 : i32
    %dma_start3A_74 = arith.constant 0 : i32
    %dma_start3A_75 = tpu.memref_slice %arg6[%add3A_73, %dma_start3A_74] : memref<152576x128xf32, #tpu.memory_space<hbm>> -> memref<128x128xf32, #tpu.memory_space<hbm>>
    %dma_start3A_76 = arith.constant 0 : i32
    %dma_start3A_77 = tpu.memref_slice %arg6[%add3A_73, %dma_start3A_76] : memref<152576x128xf32, #tpu.memory_space<hbm>> -> memref<128x128xf32, #tpu.memory_space<hbm>>
    tpu.enqueue_dma source(%arg7 : memref<128x128xf32, #tpu.memory_space<vmem>>) target(%dma_start3A_77 : memref<128x128xf32, #tpu.memory_space<hbm>>) target_semaphore(%arg20 : memref<!tpu.dma_semaphore, #tpu.memory_space<semaphore_mem>>)
    %dma_wait3A_78 = arith.constant 21 : i32
    %dma_wait3A_79 = arith.constant 0 : i32
    %dma_wait3A_80 = tpu.memref_slice %arg12[%dma_wait3A_78, %dma_wait3A_79] : memref<25x128xi32, #tpu.memory_space<vmem>> -> memref<1x128xi32, #tpu.memory_space<vmem>>
    %dma_wait3A_81 = tpu.memref_squeeze %dma_wait3A_80 : memref<1x128xi32, #tpu.memory_space<vmem>> -> memref<128xi32, #tpu.memory_space<vmem>>
    %dma_wait3A_82 = arith.constant 0 : i32
    %dma_wait3A_83 = arith.constant 0 : i32
    %dma_wait3A_84 = tpu.memref_slice %arg2[%dma_wait3A_82, %dma_wait3A_83] : memref<100000x128xf32, #tpu.memory_space<hbm>> -> memref<100000x128xf32, #tpu.memory_space<hbm>>
    tpu.wait_indirect_dma semaphore(%arg16 : memref<!tpu.dma_semaphore, #tpu.memory_space<semaphore_mem>>) src(%dma_wait3A_84 : memref<100000x128xf32, #tpu.memory_space<hbm>>) dst(%arg8 : memref<128x128xf32, #tpu.memory_space<vmem>>)
    %mul3A_85 = arith.constant 25 : i32
    %mul3A_86 = arith.muli %add3A, %mul3A_85 : i32
    %add3A_87 = arith.constant 21 : i32
    %add3A_88 = arith.addi %mul3A_86, %add3A_87 : i32
    %shift_right_arithmetic3A_89 = arith.constant 3 : i32
    %shift_right_arithmetic3A_90 = arith.shrsi %add3A_88, %shift_right_arithmetic3A_89 : i32
    %and3A_91 = arith.constant 7 : i32
    %and3A_92 = arith.andi %add3A_88, %and3A_91 : i32
    %shift_right_arithmetic3A_93 = arith.constant 1 : i32
    %shift_right_arithmetic3A_94 = arith.shrsi %shift_right_arithmetic3A_90, %shift_right_arithmetic3A_93 : i32
    %mul3A_95 = arith.constant 3 : i32
    %mul3A_96 = arith.muli %mul3A_95, %shift_right_arithmetic3A_94 : i32
    %and3A_97 = arith.constant 1 : i32
    %and3A_98 = arith.andi %shift_right_arithmetic3A_90, %and3A_97 : i32
    %add3A_99 = arith.addi %mul3A_96, %and3A_98 : i32
    %mul3A_100 = arith.constant 1024 : i32
    %mul3A_101 = arith.muli %add3A_99, %mul3A_100 : i32
    %mul3A_102 = arith.constant 128 : i32
    %mul3A_103 = arith.muli %and3A_92, %mul3A_102 : i32
    %add3A_104 = arith.addi %mul3A_101, %mul3A_103 : i32
    %dma_start3A_105 = arith.constant 0 : i32
    %dma_start3A_106 = tpu.memref_slice %arg6[%add3A_104, %dma_start3A_105] : memref<152576x128xf32, #tpu.memory_space<hbm>> -> memref<128x128xf32, #tpu.memory_space<hbm>>
    %dma_start3A_107 = arith.constant 0 : i32
    %dma_start3A_108 = tpu.memref_slice %arg6[%add3A_104, %dma_start3A_107] : memref<152576x128xf32, #tpu.memory_space<hbm>> -> memref<128x128xf32, #tpu.memory_space<hbm>>
    tpu.enqueue_dma source(%arg8 : memref<128x128xf32, #tpu.memory_space<vmem>>) target(%dma_start3A_108 : memref<128x128xf32, #tpu.memory_space<hbm>>) target_semaphore(%arg21 : memref<!tpu.dma_semaphore, #tpu.memory_space<semaphore_mem>>)
    %dma_wait3A_109 = arith.constant 22 : i32
    %dma_wait3A_110 = arith.constant 0 : i32
    %dma_wait3A_111 = tpu.memref_slice %arg12[%dma_wait3A_109, %dma_wait3A_110] : memref<25x128xi32, #tpu.memory_space<vmem>> -> memref<1x128xi32, #tpu.memory_space<vmem>>
    %dma_wait3A_112 = tpu.memref_squeeze %dma_wait3A_111 : memref<1x128xi32, #tpu.memory_space<vmem>> -> memref<128xi32, #tpu.memory_space<vmem>>
    %dma_wait3A_113 = arith.constant 0 : i32
    %dma_wait3A_114 = arith.constant 0 : i32
    %dma_wait3A_115 = tpu.memref_slice %arg2[%dma_wait3A_113, %dma_wait3A_114] : memref<100000x128xf32, #tpu.memory_space<hbm>> -> memref<100000x128xf32, #tpu.memory_space<hbm>>
    tpu.wait_indirect_dma semaphore(%arg17 : memref<!tpu.dma_semaphore, #tpu.memory_space<semaphore_mem>>) src(%dma_wait3A_115 : memref<100000x128xf32, #tpu.memory_space<hbm>>) dst(%arg9 : memref<128x128xf32, #tpu.memory_space<vmem>>)
    %mul3A_116 = arith.constant 25 : i32
    %mul3A_117 = arith.muli %add3A, %mul3A_116 : i32
    %add3A_118 = arith.constant 22 : i32
    %add3A_119 = arith.addi %mul3A_117, %add3A_118 : i32
    %shift_right_arithmetic3A_120 = arith.constant 3 : i32
    %shift_right_arithmetic3A_121 = arith.shrsi %add3A_119, %shift_right_arithmetic3A_120 : i32
    %and3A_122 = arith.constant 7 : i32
    %and3A_123 = arith.andi %add3A_119, %and3A_122 : i32
    %shift_right_arithmetic3A_124 = arith.constant 1 : i32
    %shift_right_arithmetic3A_125 = arith.shrsi %shift_right_arithmetic3A_121, %shift_right_arithmetic3A_124 : i32
    %mul3A_126 = arith.constant 3 : i32
    %mul3A_127 = arith.muli %mul3A_126, %shift_right_arithmetic3A_125 : i32
    %and3A_128 = arith.constant 1 : i32
    %and3A_129 = arith.andi %shift_right_arithmetic3A_121, %and3A_128 : i32
    %add3A_130 = arith.addi %mul3A_127, %and3A_129 : i32
    %mul3A_131 = arith.constant 1024 : i32
    %mul3A_132 = arith.muli %add3A_130, %mul3A_131 : i32
    %mul3A_133 = arith.constant 128 : i32
    %mul3A_134 = arith.muli %and3A_123, %mul3A_133 : i32
    %add3A_135 = arith.addi %mul3A_132, %mul3A_134 : i32
    %dma_start3A_136 = arith.constant 0 : i32
    %dma_start3A_137 = tpu.memref_slice %arg6[%add3A_135, %dma_start3A_136] : memref<152576x128xf32, #tpu.memory_space<hbm>> -> memref<128x128xf32, #tpu.memory_space<hbm>>
    %dma_start3A_138 = arith.constant 0 : i32
    %dma_start3A_139 = tpu.memref_slice %arg6[%add3A_135, %dma_start3A_138] : memref<152576x128xf32, #tpu.memory_space<hbm>> -> memref<128x128xf32, #tpu.memory_space<hbm>>
    tpu.enqueue_dma source(%arg9 : memref<128x128xf32, #tpu.memory_space<vmem>>) target(%dma_start3A_139 : memref<128x128xf32, #tpu.memory_space<hbm>>) target_semaphore(%arg22 : memref<!tpu.dma_semaphore, #tpu.memory_space<semaphore_mem>>)
    %dma_wait3A_140 = arith.constant 23 : i32
    %dma_wait3A_141 = arith.constant 0 : i32
    %dma_wait3A_142 = tpu.memref_slice %arg12[%dma_wait3A_140, %dma_wait3A_141] : memref<25x128xi32, #tpu.memory_space<vmem>> -> memref<1x128xi32, #tpu.memory_space<vmem>>
    %dma_wait3A_143 = tpu.memref_squeeze %dma_wait3A_142 : memref<1x128xi32, #tpu.memory_space<vmem>> -> memref<128xi32, #tpu.memory_space<vmem>>
    %dma_wait3A_144 = arith.constant 0 : i32
    %dma_wait3A_145 = arith.constant 0 : i32
    %dma_wait3A_146 = tpu.memref_slice %arg2[%dma_wait3A_144, %dma_wait3A_145] : memref<100000x128xf32, #tpu.memory_space<hbm>> -> memref<100000x128xf32, #tpu.memory_space<hbm>>
    tpu.wait_indirect_dma semaphore(%arg18 : memref<!tpu.dma_semaphore, #tpu.memory_space<semaphore_mem>>) src(%dma_wait3A_146 : memref<100000x128xf32, #tpu.memory_space<hbm>>) dst(%arg10 : memref<128x128xf32, #tpu.memory_space<vmem>>)
    %mul3A_147 = arith.constant 25 : i32
    %mul3A_148 = arith.muli %add3A, %mul3A_147 : i32
    %add3A_149 = arith.constant 23 : i32
    %add3A_150 = arith.addi %mul3A_148, %add3A_149 : i32
    %shift_right_arithmetic3A_151 = arith.constant 3 : i32
    %shift_right_arithmetic3A_152 = arith.shrsi %add3A_150, %shift_right_arithmetic3A_151 : i32
    %and3A_153 = arith.constant 7 : i32
    %and3A_154 = arith.andi %add3A_150, %and3A_153 : i32
    %shift_right_arithmetic3A_155 = arith.constant 1 : i32
    %shift_right_arithmetic3A_156 = arith.shrsi %shift_right_arithmetic3A_152, %shift_right_arithmetic3A_155 : i32
    %mul3A_157 = arith.constant 3 : i32
    %mul3A_158 = arith.muli %mul3A_157, %shift_right_arithmetic3A_156 : i32
    %and3A_159 = arith.constant 1 : i32
    %and3A_160 = arith.andi %shift_right_arithmetic3A_152, %and3A_159 : i32
    %add3A_161 = arith.addi %mul3A_158, %and3A_160 : i32
    %mul3A_162 = arith.constant 1024 : i32
    %mul3A_163 = arith.muli %add3A_161, %mul3A_162 : i32
    %mul3A_164 = arith.constant 128 : i32
    %mul3A_165 = arith.muli %and3A_154, %mul3A_164 : i32
    %add3A_166 = arith.addi %mul3A_163, %mul3A_165 : i32
    %dma_start3A_167 = arith.constant 0 : i32
    %dma_start3A_168 = tpu.memref_slice %arg6[%add3A_166, %dma_start3A_167] : memref<152576x128xf32, #tpu.memory_space<hbm>> -> memref<128x128xf32, #tpu.memory_space<hbm>>
    %dma_start3A_169 = arith.constant 0 : i32
    %dma_start3A_170 = tpu.memref_slice %arg6[%add3A_166, %dma_start3A_169] : memref<152576x128xf32, #tpu.memory_space<hbm>> -> memref<128x128xf32, #tpu.memory_space<hbm>>
    tpu.enqueue_dma source(%arg10 : memref<128x128xf32, #tpu.memory_space<vmem>>) target(%dma_start3A_170 : memref<128x128xf32, #tpu.memory_space<hbm>>) target_semaphore(%arg23 : memref<!tpu.dma_semaphore, #tpu.memory_space<semaphore_mem>>)
    %dma_wait3A_171 = arith.constant 24 : i32
    %dma_wait3A_172 = arith.constant 0 : i32
    %dma_wait3A_173 = tpu.memref_slice %arg12[%dma_wait3A_171, %dma_wait3A_172] : memref<25x128xi32, #tpu.memory_space<vmem>> -> memref<1x128xi32, #tpu.memory_space<vmem>>
    %dma_wait3A_174 = tpu.memref_squeeze %dma_wait3A_173 : memref<1x128xi32, #tpu.memory_space<vmem>> -> memref<128xi32, #tpu.memory_space<vmem>>
    %dma_wait3A_175 = arith.constant 0 : i32
    %dma_wait3A_176 = arith.constant 0 : i32
    %dma_wait3A_177 = tpu.memref_slice %arg2[%dma_wait3A_175, %dma_wait3A_176] : memref<100000x128xf32, #tpu.memory_space<hbm>> -> memref<100000x128xf32, #tpu.memory_space<hbm>>
    tpu.wait_indirect_dma semaphore(%arg19 : memref<!tpu.dma_semaphore, #tpu.memory_space<semaphore_mem>>) src(%dma_wait3A_177 : memref<100000x128xf32, #tpu.memory_space<hbm>>) dst(%arg11 : memref<128x128xf32, #tpu.memory_space<vmem>>)
    %mul3A_178 = arith.constant 25 : i32
    %mul3A_179 = arith.muli %add3A, %mul3A_178 : i32
    %add3A_180 = arith.constant 24 : i32
    %add3A_181 = arith.addi %mul3A_179, %add3A_180 : i32
    %shift_right_arithmetic3A_182 = arith.constant 3 : i32
    %shift_right_arithmetic3A_183 = arith.shrsi %add3A_181, %shift_right_arithmetic3A_182 : i32
    %and3A_184 = arith.constant 7 : i32
    %and3A_185 = arith.andi %add3A_181, %and3A_184 : i32
    %shift_right_arithmetic3A_186 = arith.constant 1 : i32
    %shift_right_arithmetic3A_187 = arith.shrsi %shift_right_arithmetic3A_183, %shift_right_arithmetic3A_186 : i32
    %mul3A_188 = arith.constant 3 : i32
    %mul3A_189 = arith.muli %mul3A_188, %shift_right_arithmetic3A_187 : i32
    %and3A_190 = arith.constant 1 : i32
    %and3A_191 = arith.andi %shift_right_arithmetic3A_183, %and3A_190 : i32
    %add3A_192 = arith.addi %mul3A_189, %and3A_191 : i32
    %mul3A_193 = arith.constant 1024 : i32
    %mul3A_194 = arith.muli %add3A_192, %mul3A_193 : i32
    %mul3A_195 = arith.constant 128 : i32
    %mul3A_196 = arith.muli %and3A_185, %mul3A_195 : i32
    %add3A_197 = arith.addi %mul3A_194, %mul3A_196 : i32
    %dma_start3A_198 = arith.constant 0 : i32
    %dma_start3A_199 = tpu.memref_slice %arg6[%add3A_197, %dma_start3A_198] : memref<152576x128xf32, #tpu.memory_space<hbm>> -> memref<128x128xf32, #tpu.memory_space<hbm>>
    %dma_start3A_200 = arith.constant 0 : i32
    %dma_start3A_201 = tpu.memref_slice %arg6[%add3A_197, %dma_start3A_200] : memref<152576x128xf32, #tpu.memory_space<hbm>> -> memref<128x128xf32, #tpu.memory_space<hbm>>
    tpu.enqueue_dma source(%arg11 : memref<128x128xf32, #tpu.memory_space<vmem>>) target(%dma_start3A_201 : memref<128x128xf32, #tpu.memory_space<hbm>>) target_semaphore(%arg24 : memref<!tpu.dma_semaphore, #tpu.memory_space<semaphore_mem>>)
    %mul3A_202 = arith.constant 25 : i32
    %mul3A_203 = arith.muli %add3A, %mul3A_202 : i32
    %add3A_204 = arith.constant 20 : i32
    %add3A_205 = arith.addi %mul3A_203, %add3A_204 : i32
    %shift_right_arithmetic3A_206 = arith.constant 3 : i32
    %shift_right_arithmetic3A_207 = arith.shrsi %add3A_205, %shift_right_arithmetic3A_206 : i32
    %and3A_208 = arith.constant 7 : i32
    %and3A_209 = arith.andi %add3A_205, %and3A_208 : i32
    %shift_right_arithmetic3A_210 = arith.constant 1 : i32
    %shift_right_arithmetic3A_211 = arith.shrsi %shift_right_arithmetic3A_207, %shift_right_arithmetic3A_210 : i32
    %mul3A_212 = arith.constant 3 : i32
    %mul3A_213 = arith.muli %mul3A_212, %shift_right_arithmetic3A_211 : i32
    %and3A_214 = arith.constant 1 : i32
    %and3A_215 = arith.andi %shift_right_arithmetic3A_207, %and3A_214 : i32
    %add3A_216 = arith.addi %mul3A_213, %and3A_215 : i32
    %mul3A_217 = arith.constant 1024 : i32
    %mul3A_218 = arith.muli %add3A_216, %mul3A_217 : i32
    %mul3A_219 = arith.constant 128 : i32
    %mul3A_220 = arith.muli %and3A_209, %mul3A_219 : i32
    %add3A_221 = arith.addi %mul3A_218, %mul3A_220 : i32
    %dma_wait3A_222 = arith.constant 0 : i32
    %dma_wait3A_223 = tpu.memref_slice %arg6[%add3A_221, %dma_wait3A_222] : memref<152576x128xf32, #tpu.memory_space<hbm>> -> memref<128x128xf32, #tpu.memory_space<hbm>>
    %dma_wait3A_224 = arith.constant 0 : i32
    %dma_wait3A_225 = tpu.memref_slice %arg6[%add3A_221, %dma_wait3A_224] : memref<152576x128xf32, #tpu.memory_space<hbm>> -> memref<128x128xf32, #tpu.memory_space<hbm>>
    tpu.wait_dma2 semaphore(%arg20 : memref<!tpu.dma_semaphore, #tpu.memory_space<semaphore_mem>>) src(%arg7 : memref<128x128xf32, #tpu.memory_space<vmem>>) dst(%dma_wait3A_225 : memref<128x128xf32, #tpu.memory_space<hbm>>)
    %mul3A_226 = arith.constant 25 : i32
    %mul3A_227 = arith.muli %add3A, %mul3A_226 : i32
    %add3A_228 = arith.constant 21 : i32
    %add3A_229 = arith.addi %mul3A_227, %add3A_228 : i32
    %shift_right_arithmetic3A_230 = arith.constant 3 : i32
    %shift_right_arithmetic3A_231 = arith.shrsi %add3A_229, %shift_right_arithmetic3A_230 : i32
    %and3A_232 = arith.constant 7 : i32
    %and3A_233 = arith.andi %add3A_229, %and3A_232 : i32
    %shift_right_arithmetic3A_234 = arith.constant 1 : i32
    %shift_right_arithmetic3A_235 = arith.shrsi %shift_right_arithmetic3A_231, %shift_right_arithmetic3A_234 : i32
    %mul3A_236 = arith.constant 3 : i32
    %mul3A_237 = arith.muli %mul3A_236, %shift_right_arithmetic3A_235 : i32
    %and3A_238 = arith.constant 1 : i32
    %and3A_239 = arith.andi %shift_right_arithmetic3A_231, %and3A_238 : i32
    %add3A_240 = arith.addi %mul3A_237, %and3A_239 : i32
    %mul3A_241 = arith.constant 1024 : i32
    %mul3A_242 = arith.muli %add3A_240, %mul3A_241 : i32
    %mul3A_243 = arith.constant 128 : i32
    %mul3A_244 = arith.muli %and3A_233, %mul3A_243 : i32
    %add3A_245 = arith.addi %mul3A_242, %mul3A_244 : i32
    %dma_wait3A_246 = arith.constant 0 : i32
    %dma_wait3A_247 = tpu.memref_slice %arg6[%add3A_245, %dma_wait3A_246] : memref<152576x128xf32, #tpu.memory_space<hbm>> -> memref<128x128xf32, #tpu.memory_space<hbm>>
    %dma_wait3A_248 = arith.constant 0 : i32
    %dma_wait3A_249 = tpu.memref_slice %arg6[%add3A_245, %dma_wait3A_248] : memref<152576x128xf32, #tpu.memory_space<hbm>> -> memref<128x128xf32, #tpu.memory_space<hbm>>
    tpu.wait_dma2 semaphore(%arg21 : memref<!tpu.dma_semaphore, #tpu.memory_space<semaphore_mem>>) src(%arg8 : memref<128x128xf32, #tpu.memory_space<vmem>>) dst(%dma_wait3A_249 : memref<128x128xf32, #tpu.memory_space<hbm>>)
    %mul3A_250 = arith.constant 25 : i32
    %mul3A_251 = arith.muli %add3A, %mul3A_250 : i32
    %add3A_252 = arith.constant 22 : i32
    %add3A_253 = arith.addi %mul3A_251, %add3A_252 : i32
    %shift_right_arithmetic3A_254 = arith.constant 3 : i32
    %shift_right_arithmetic3A_255 = arith.shrsi %add3A_253, %shift_right_arithmetic3A_254 : i32
    %and3A_256 = arith.constant 7 : i32
    %and3A_257 = arith.andi %add3A_253, %and3A_256 : i32
    %shift_right_arithmetic3A_258 = arith.constant 1 : i32
    %shift_right_arithmetic3A_259 = arith.shrsi %shift_right_arithmetic3A_255, %shift_right_arithmetic3A_258 : i32
    %mul3A_260 = arith.constant 3 : i32
    %mul3A_261 = arith.muli %mul3A_260, %shift_right_arithmetic3A_259 : i32
    %and3A_262 = arith.constant 1 : i32
    %and3A_263 = arith.andi %shift_right_arithmetic3A_255, %and3A_262 : i32
    %add3A_264 = arith.addi %mul3A_261, %and3A_263 : i32
    %mul3A_265 = arith.constant 1024 : i32
    %mul3A_266 = arith.muli %add3A_264, %mul3A_265 : i32
    %mul3A_267 = arith.constant 128 : i32
    %mul3A_268 = arith.muli %and3A_257, %mul3A_267 : i32
    %add3A_269 = arith.addi %mul3A_266, %mul3A_268 : i32
    %dma_wait3A_270 = arith.constant 0 : i32
    %dma_wait3A_271 = tpu.memref_slice %arg6[%add3A_269, %dma_wait3A_270] : memref<152576x128xf32, #tpu.memory_space<hbm>> -> memref<128x128xf32, #tpu.memory_space<hbm>>
    %dma_wait3A_272 = arith.constant 0 : i32
    %dma_wait3A_273 = tpu.memref_slice %arg6[%add3A_269, %dma_wait3A_272] : memref<152576x128xf32, #tpu.memory_space<hbm>> -> memref<128x128xf32, #tpu.memory_space<hbm>>
    tpu.wait_dma2 semaphore(%arg22 : memref<!tpu.dma_semaphore, #tpu.memory_space<semaphore_mem>>) src(%arg9 : memref<128x128xf32, #tpu.memory_space<vmem>>) dst(%dma_wait3A_273 : memref<128x128xf32, #tpu.memory_space<hbm>>)
    %mul3A_274 = arith.constant 25 : i32
    %mul3A_275 = arith.muli %add3A, %mul3A_274 : i32
    %add3A_276 = arith.constant 23 : i32
    %add3A_277 = arith.addi %mul3A_275, %add3A_276 : i32
    %shift_right_arithmetic3A_278 = arith.constant 3 : i32
    %shift_right_arithmetic3A_279 = arith.shrsi %add3A_277, %shift_right_arithmetic3A_278 : i32
    %and3A_280 = arith.constant 7 : i32
    %and3A_281 = arith.andi %add3A_277, %and3A_280 : i32
    %shift_right_arithmetic3A_282 = arith.constant 1 : i32
    %shift_right_arithmetic3A_283 = arith.shrsi %shift_right_arithmetic3A_279, %shift_right_arithmetic3A_282 : i32
    %mul3A_284 = arith.constant 3 : i32
    %mul3A_285 = arith.muli %mul3A_284, %shift_right_arithmetic3A_283 : i32
    %and3A_286 = arith.constant 1 : i32
    %and3A_287 = arith.andi %shift_right_arithmetic3A_279, %and3A_286 : i32
    %add3A_288 = arith.addi %mul3A_285, %and3A_287 : i32
    %mul3A_289 = arith.constant 1024 : i32
    %mul3A_290 = arith.muli %add3A_288, %mul3A_289 : i32
    %mul3A_291 = arith.constant 128 : i32
    %mul3A_292 = arith.muli %and3A_281, %mul3A_291 : i32
    %add3A_293 = arith.addi %mul3A_290, %mul3A_292 : i32
    %dma_wait3A_294 = arith.constant 0 : i32
    %dma_wait3A_295 = tpu.memref_slice %arg6[%add3A_293, %dma_wait3A_294] : memref<152576x128xf32, #tpu.memory_space<hbm>> -> memref<128x128xf32, #tpu.memory_space<hbm>>
    %dma_wait3A_296 = arith.constant 0 : i32
    %dma_wait3A_297 = tpu.memref_slice %arg6[%add3A_293, %dma_wait3A_296] : memref<152576x128xf32, #tpu.memory_space<hbm>> -> memref<128x128xf32, #tpu.memory_space<hbm>>
    tpu.wait_dma2 semaphore(%arg23 : memref<!tpu.dma_semaphore, #tpu.memory_space<semaphore_mem>>) src(%arg10 : memref<128x128xf32, #tpu.memory_space<vmem>>) dst(%dma_wait3A_297 : memref<128x128xf32, #tpu.memory_space<hbm>>)
    %mul3A_298 = arith.constant 25 : i32
    %mul3A_299 = arith.muli %add3A, %mul3A_298 : i32
    %add3A_300 = arith.constant 24 : i32
    %add3A_301 = arith.addi %mul3A_299, %add3A_300 : i32
    %shift_right_arithmetic3A_302 = arith.constant 3 : i32
    %shift_right_arithmetic3A_303 = arith.shrsi %add3A_301, %shift_right_arithmetic3A_302 : i32
    %and3A_304 = arith.constant 7 : i32
    %and3A_305 = arith.andi %add3A_301, %and3A_304 : i32
    %shift_right_arithmetic3A_306 = arith.constant 1 : i32
    %shift_right_arithmetic3A_307 = arith.shrsi %shift_right_arithmetic3A_303, %shift_right_arithmetic3A_306 : i32
    %mul3A_308 = arith.constant 3 : i32
    %mul3A_309 = arith.muli %mul3A_308, %shift_right_arithmetic3A_307 : i32
    %and3A_310 = arith.constant 1 : i32
    %and3A_311 = arith.andi %shift_right_arithmetic3A_303, %and3A_310 : i32
    %add3A_312 = arith.addi %mul3A_309, %and3A_311 : i32
    %mul3A_313 = arith.constant 1024 : i32
    %mul3A_314 = arith.muli %add3A_312, %mul3A_313 : i32
    %mul3A_315 = arith.constant 128 : i32
    %mul3A_316 = arith.muli %and3A_305, %mul3A_315 : i32
    %add3A_317 = arith.addi %mul3A_314, %mul3A_316 : i32
    %dma_wait3A_318 = arith.constant 0 : i32
    %dma_wait3A_319 = tpu.memref_slice %arg6[%add3A_317, %dma_wait3A_318] : memref<152576x128xf32, #tpu.memory_space<hbm>> -> memref<128x128xf32, #tpu.memory_space<hbm>>
    %dma_wait3A_320 = arith.constant 0 : i32
    %dma_wait3A_321 = tpu.memref_slice %arg6[%add3A_317, %dma_wait3A_320] : memref<152576x128xf32, #tpu.memory_space<hbm>> -> memref<128x128xf32, #tpu.memory_space<hbm>>
    tpu.wait_dma2 semaphore(%arg24 : memref<!tpu.dma_semaphore, #tpu.memory_space<semaphore_mem>>) src(%arg11 : memref<128x128xf32, #tpu.memory_space<vmem>>) dst(%dma_wait3A_321 : memref<128x128xf32, #tpu.memory_space<hbm>>)
    %dma_wait3A_322 = arith.constant 0 : i32
    %dma_wait3A_323 = arith.constant 0 : i32
    %dma_wait3A_324 = tpu.memref_slice %arg5[%add3A, %dma_wait3A_322, %dma_wait3A_323] : memref<32x13x128xi32, #tpu.memory_space<hbm>> -> memref<1x13x128xi32, #tpu.memory_space<hbm>>
    %dma_wait3A_325 = tpu.memref_squeeze %dma_wait3A_324 : memref<1x13x128xi32, #tpu.memory_space<hbm>> -> memref<13x128xi32, #tpu.memory_space<hbm>>
    %dma_wait3A_326 = arith.constant 0 : i32
    %dma_wait3A_327 = arith.constant 0 : i32
    %dma_wait3A_328 = tpu.memref_slice %arg5[%add3A, %dma_wait3A_326, %dma_wait3A_327] : memref<32x13x128xi32, #tpu.memory_space<hbm>> -> memref<1x13x128xi32, #tpu.memory_space<hbm>>
    %dma_wait3A_329 = tpu.memref_squeeze %dma_wait3A_328 : memref<1x13x128xi32, #tpu.memory_space<hbm>> -> memref<13x128xi32, #tpu.memory_space<hbm>>
    tpu.wait_dma2 semaphore(%arg26 : memref<!tpu.dma_semaphore, #tpu.memory_space<semaphore_mem>>) src(%dma_wait3A_329 : memref<13x128xi32, #tpu.memory_space<hbm>>) dst(%arg13 : memref<13x128xi32, #tpu.memory_space<vmem>>)
    %eq3A_330 = arith.constant 0 : i32
    %eq3A_331 = arith.cmpi eq, %arg1, %eq3A_330 : i32
    %convert_element_type3A_332 = arith.extui %eq3A_331 : i1 to i32
    %cond3A_333 = arith.constant 0 : i32
    %cond3A_334 = arith.cmpi ne, %convert_element_type3A_332, %cond3A_333 : i32
    scf.if %cond3A_334 {
      tpu.wait_dma2 semaphore(%arg25 : memref<!tpu.dma_semaphore, #tpu.memory_space<semaphore_mem>>) src(%arg3 : memref<1000x128xf32, #tpu.memory_space<hbm>>) dst(%arg14 : memref<1000x128xf32, #tpu.memory_space<vmem_shared>>)
    } else {
    }
    %barrier3A = arith.constant 0 : index
    tpu.barrier barrier_id(%barrier3A)
    %dma_start3A_335 = arith.constant 0 : i32
    %dma_start3A_336 = arith.constant 0 : i32
    %dma_start3A_337 = tpu.memref_slice %arg13[%dma_start3A_335, %dma_start3A_336] : memref<13x128xi32, #tpu.memory_space<vmem>> -> memref<1x128xi32, #tpu.memory_space<vmem>>
    %dma_start3A_338 = tpu.memref_squeeze %dma_start3A_337 : memref<1x128xi32, #tpu.memory_space<vmem>> -> memref<128xi32, #tpu.memory_space<vmem>>
    %dma_start3A_339 = arith.constant 0 : i32
    %dma_start3A_340 = arith.constant 0 : i32
    %dma_start3A_341 = tpu.memref_slice %arg14[%dma_start3A_339, %dma_start3A_340] : memref<1000x128xf32, #tpu.memory_space<vmem_shared>> -> memref<1000x128xf32, #tpu.memory_space<vmem_shared>>
    tpu.enqueue_indirect_dma source(%dma_start3A_341 : memref<1000x128xf32, #tpu.memory_space<vmem_shared>>) target(%arg7 : memref<128x128xf32, #tpu.memory_space<vmem>>) offsets(%dma_start3A_338 : memref<128xi32, #tpu.memory_space<vmem>>) semaphore(%arg15 : memref<!tpu.dma_semaphore, #tpu.memory_space<semaphore_mem>>)
    %dma_start3A_342 = arith.constant 1 : i32
    %dma_start3A_343 = arith.constant 0 : i32
    %dma_start3A_344 = tpu.memref_slice %arg13[%dma_start3A_342, %dma_start3A_343] : memref<13x128xi32, #tpu.memory_space<vmem>> -> memref<1x128xi32, #tpu.memory_space<vmem>>
    %dma_start3A_345 = tpu.memref_squeeze %dma_start3A_344 : memref<1x128xi32, #tpu.memory_space<vmem>> -> memref<128xi32, #tpu.memory_space<vmem>>
    %dma_start3A_346 = arith.constant 0 : i32
    %dma_start3A_347 = arith.constant 0 : i32
    %dma_start3A_348 = tpu.memref_slice %arg14[%dma_start3A_346, %dma_start3A_347] : memref<1000x128xf32, #tpu.memory_space<vmem_shared>> -> memref<1000x128xf32, #tpu.memory_space<vmem_shared>>
    tpu.enqueue_indirect_dma source(%dma_start3A_348 : memref<1000x128xf32, #tpu.memory_space<vmem_shared>>) target(%arg8 : memref<128x128xf32, #tpu.memory_space<vmem>>) offsets(%dma_start3A_345 : memref<128xi32, #tpu.memory_space<vmem>>) semaphore(%arg16 : memref<!tpu.dma_semaphore, #tpu.memory_space<semaphore_mem>>)
    %dma_start3A_349 = arith.constant 2 : i32
    %dma_start3A_350 = arith.constant 0 : i32
    %dma_start3A_351 = tpu.memref_slice %arg13[%dma_start3A_349, %dma_start3A_350] : memref<13x128xi32, #tpu.memory_space<vmem>> -> memref<1x128xi32, #tpu.memory_space<vmem>>
    %dma_start3A_352 = tpu.memref_squeeze %dma_start3A_351 : memref<1x128xi32, #tpu.memory_space<vmem>> -> memref<128xi32, #tpu.memory_space<vmem>>
    %dma_start3A_353 = arith.constant 0 : i32
    %dma_start3A_354 = arith.constant 0 : i32
    %dma_start3A_355 = tpu.memref_slice %arg14[%dma_start3A_353, %dma_start3A_354] : memref<1000x128xf32, #tpu.memory_space<vmem_shared>> -> memref<1000x128xf32, #tpu.memory_space<vmem_shared>>
    tpu.enqueue_indirect_dma source(%dma_start3A_355 : memref<1000x128xf32, #tpu.memory_space<vmem_shared>>) target(%arg9 : memref<128x128xf32, #tpu.memory_space<vmem>>) offsets(%dma_start3A_352 : memref<128xi32, #tpu.memory_space<vmem>>) semaphore(%arg17 : memref<!tpu.dma_semaphore, #tpu.memory_space<semaphore_mem>>)
    %dma_start3A_356 = arith.constant 3 : i32
    %dma_start3A_357 = arith.constant 0 : i32
    %dma_start3A_358 = tpu.memref_slice %arg13[%dma_start3A_356, %dma_start3A_357] : memref<13x128xi32, #tpu.memory_space<vmem>> -> memref<1x128xi32, #tpu.memory_space<vmem>>
    %dma_start3A_359 = tpu.memref_squeeze %dma_start3A_358 : memref<1x128xi32, #tpu.memory_space<vmem>> -> memref<128xi32, #tpu.memory_space<vmem>>
    %dma_start3A_360 = arith.constant 0 : i32
    %dma_start3A_361 = arith.constant 0 : i32
    %dma_start3A_362 = tpu.memref_slice %arg14[%dma_start3A_360, %dma_start3A_361] : memref<1000x128xf32, #tpu.memory_space<vmem_shared>> -> memref<1000x128xf32, #tpu.memory_space<vmem_shared>>
    tpu.enqueue_indirect_dma source(%dma_start3A_362 : memref<1000x128xf32, #tpu.memory_space<vmem_shared>>) target(%arg10 : memref<128x128xf32, #tpu.memory_space<vmem>>) offsets(%dma_start3A_359 : memref<128xi32, #tpu.memory_space<vmem>>) semaphore(%arg18 : memref<!tpu.dma_semaphore, #tpu.memory_space<semaphore_mem>>)
    %scan3A_363 = arith.constant 0 : i32
    %scan3A_364 = arith.constant 0 : i32
    %scan3A_365 = arith.constant 2 : i32
    %scan3A_366 = arith.addi %scan3A_364, %scan3A_365 : i32
    %scan3A_367 = arith.constant 1 : i32
    scf.for %scan3A_577 = %scan3A_364 to %scan3A_366 step %scan3A_367  : i32 {
      %mul3A_578 = arith.constant 4 : i32
      %mul3A_579 = arith.muli %scan3A_577, %mul3A_578 : i32
      %add3A_580 = arith.constant 0 : i32
      %add3A_581 = arith.addi %mul3A_579, %add3A_580 : i32
      %dma_wait3A_582 = arith.constant 0 : i32
      %dma_wait3A_583 = tpu.memref_slice %arg13[%add3A_581, %dma_wait3A_582] : memref<13x128xi32, #tpu.memory_space<vmem>> -> memref<1x128xi32, #tpu.memory_space<vmem>>
      %dma_wait3A_584 = tpu.memref_squeeze %dma_wait3A_583 : memref<1x128xi32, #tpu.memory_space<vmem>> -> memref<128xi32, #tpu.memory_space<vmem>>
      %dma_wait3A_585 = arith.constant 0 : i32
      %dma_wait3A_586 = arith.constant 0 : i32
      %dma_wait3A_587 = tpu.memref_slice %arg14[%dma_wait3A_585, %dma_wait3A_586] : memref<1000x128xf32, #tpu.memory_space<vmem_shared>> -> memref<1000x128xf32, #tpu.memory_space<vmem_shared>>
      tpu.wait_indirect_dma semaphore(%arg15 : memref<!tpu.dma_semaphore, #tpu.memory_space<semaphore_mem>>) src(%dma_wait3A_587 : memref<1000x128xf32, #tpu.memory_space<vmem_shared>>) dst(%arg7 : memref<128x128xf32, #tpu.memory_space<vmem>>)
      %mul3A_588 = arith.constant 12 : i32
      %mul3A_589 = arith.muli %add3A, %mul3A_588 : i32
      %add3A_590 = arith.addi %mul3A_589, %add3A_581 : i32
      %shift_right_arithmetic3A_591 = arith.constant 3 : i32
      %shift_right_arithmetic3A_592 = arith.shrsi %add3A_590, %shift_right_arithmetic3A_591 : i32
      %and3A_593 = arith.constant 7 : i32
      %and3A_594 = arith.andi %add3A_590, %and3A_593 : i32
      %mul3A_595 = arith.constant 3 : i32
      %mul3A_596 = arith.muli %mul3A_595, %shift_right_arithmetic3A_592 : i32
      %add3A_597 = arith.constant 2 : i32
      %add3A_598 = arith.addi %mul3A_596, %add3A_597 : i32
      %mul3A_599 = arith.constant 1024 : i32
      %mul3A_600 = arith.muli %add3A_598, %mul3A_599 : i32
      %mul3A_601 = arith.constant 128 : i32
      %mul3A_602 = arith.muli %and3A_594, %mul3A_601 : i32
      %add3A_603 = arith.addi %mul3A_600, %mul3A_602 : i32
      %dma_start3A_604 = arith.constant 0 : i32
      %dma_start3A_605 = tpu.memref_slice %arg6[%add3A_603, %dma_start3A_604] : memref<152576x128xf32, #tpu.memory_space<hbm>> -> memref<128x128xf32, #tpu.memory_space<hbm>>
      %dma_start3A_606 = arith.constant 0 : i32
      %dma_start3A_607 = tpu.memref_slice %arg6[%add3A_603, %dma_start3A_606] : memref<152576x128xf32, #tpu.memory_space<hbm>> -> memref<128x128xf32, #tpu.memory_space<hbm>>
      tpu.enqueue_dma source(%arg7 : memref<128x128xf32, #tpu.memory_space<vmem>>) target(%dma_start3A_607 : memref<128x128xf32, #tpu.memory_space<hbm>>) target_semaphore(%arg20 : memref<!tpu.dma_semaphore, #tpu.memory_space<semaphore_mem>>)
      %mul3A_608 = arith.constant 4 : i32
      %mul3A_609 = arith.muli %scan3A_577, %mul3A_608 : i32
      %add3A_610 = arith.constant 1 : i32
      %add3A_611 = arith.addi %mul3A_609, %add3A_610 : i32
      %dma_wait3A_612 = arith.constant 0 : i32
      %dma_wait3A_613 = tpu.memref_slice %arg13[%add3A_611, %dma_wait3A_612] : memref<13x128xi32, #tpu.memory_space<vmem>> -> memref<1x128xi32, #tpu.memory_space<vmem>>
      %dma_wait3A_614 = tpu.memref_squeeze %dma_wait3A_613 : memref<1x128xi32, #tpu.memory_space<vmem>> -> memref<128xi32, #tpu.memory_space<vmem>>
      %dma_wait3A_615 = arith.constant 0 : i32
      %dma_wait3A_616 = arith.constant 0 : i32
      %dma_wait3A_617 = tpu.memref_slice %arg14[%dma_wait3A_615, %dma_wait3A_616] : memref<1000x128xf32, #tpu.memory_space<vmem_shared>> -> memref<1000x128xf32, #tpu.memory_space<vmem_shared>>
      tpu.wait_indirect_dma semaphore(%arg16 : memref<!tpu.dma_semaphore, #tpu.memory_space<semaphore_mem>>) src(%dma_wait3A_617 : memref<1000x128xf32, #tpu.memory_space<vmem_shared>>) dst(%arg8 : memref<128x128xf32, #tpu.memory_space<vmem>>)
      %mul3A_618 = arith.constant 12 : i32
      %mul3A_619 = arith.muli %add3A, %mul3A_618 : i32
      %add3A_620 = arith.addi %mul3A_619, %add3A_611 : i32
      %shift_right_arithmetic3A_621 = arith.constant 3 : i32
      %shift_right_arithmetic3A_622 = arith.shrsi %add3A_620, %shift_right_arithmetic3A_621 : i32
      %and3A_623 = arith.constant 7 : i32
      %and3A_624 = arith.andi %add3A_620, %and3A_623 : i32
      %mul3A_625 = arith.constant 3 : i32
      %mul3A_626 = arith.muli %mul3A_625, %shift_right_arithmetic3A_622 : i32
      %add3A_627 = arith.constant 2 : i32
      %add3A_628 = arith.addi %mul3A_626, %add3A_627 : i32
      %mul3A_629 = arith.constant 1024 : i32
      %mul3A_630 = arith.muli %add3A_628, %mul3A_629 : i32
      %mul3A_631 = arith.constant 128 : i32
      %mul3A_632 = arith.muli %and3A_624, %mul3A_631 : i32
      %add3A_633 = arith.addi %mul3A_630, %mul3A_632 : i32
      %dma_start3A_634 = arith.constant 0 : i32
      %dma_start3A_635 = tpu.memref_slice %arg6[%add3A_633, %dma_start3A_634] : memref<152576x128xf32, #tpu.memory_space<hbm>> -> memref<128x128xf32, #tpu.memory_space<hbm>>
      %dma_start3A_636 = arith.constant 0 : i32
      %dma_start3A_637 = tpu.memref_slice %arg6[%add3A_633, %dma_start3A_636] : memref<152576x128xf32, #tpu.memory_space<hbm>> -> memref<128x128xf32, #tpu.memory_space<hbm>>
      tpu.enqueue_dma source(%arg8 : memref<128x128xf32, #tpu.memory_space<vmem>>) target(%dma_start3A_637 : memref<128x128xf32, #tpu.memory_space<hbm>>) target_semaphore(%arg21 : memref<!tpu.dma_semaphore, #tpu.memory_space<semaphore_mem>>)
      %mul3A_638 = arith.constant 4 : i32
      %mul3A_639 = arith.muli %scan3A_577, %mul3A_638 : i32
      %add3A_640 = arith.constant 2 : i32
      %add3A_641 = arith.addi %mul3A_639, %add3A_640 : i32
      %dma_wait3A_642 = arith.constant 0 : i32
      %dma_wait3A_643 = tpu.memref_slice %arg13[%add3A_641, %dma_wait3A_642] : memref<13x128xi32, #tpu.memory_space<vmem>> -> memref<1x128xi32, #tpu.memory_space<vmem>>
      %dma_wait3A_644 = tpu.memref_squeeze %dma_wait3A_643 : memref<1x128xi32, #tpu.memory_space<vmem>> -> memref<128xi32, #tpu.memory_space<vmem>>
      %dma_wait3A_645 = arith.constant 0 : i32
      %dma_wait3A_646 = arith.constant 0 : i32
      %dma_wait3A_647 = tpu.memref_slice %arg14[%dma_wait3A_645, %dma_wait3A_646] : memref<1000x128xf32, #tpu.memory_space<vmem_shared>> -> memref<1000x128xf32, #tpu.memory_space<vmem_shared>>
      tpu.wait_indirect_dma semaphore(%arg17 : memref<!tpu.dma_semaphore, #tpu.memory_space<semaphore_mem>>) src(%dma_wait3A_647 : memref<1000x128xf32, #tpu.memory_space<vmem_shared>>) dst(%arg9 : memref<128x128xf32, #tpu.memory_space<vmem>>)
      %mul3A_648 = arith.constant 12 : i32
      %mul3A_649 = arith.muli %add3A, %mul3A_648 : i32
      %add3A_650 = arith.addi %mul3A_649, %add3A_641 : i32
      %shift_right_arithmetic3A_651 = arith.constant 3 : i32
      %shift_right_arithmetic3A_652 = arith.shrsi %add3A_650, %shift_right_arithmetic3A_651 : i32
      %and3A_653 = arith.constant 7 : i32
      %and3A_654 = arith.andi %add3A_650, %and3A_653 : i32
      %mul3A_655 = arith.constant 3 : i32
      %mul3A_656 = arith.muli %mul3A_655, %shift_right_arithmetic3A_652 : i32
      %add3A_657 = arith.constant 2 : i32
      %add3A_658 = arith.addi %mul3A_656, %add3A_657 : i32
      %mul3A_659 = arith.constant 1024 : i32
      %mul3A_660 = arith.muli %add3A_658, %mul3A_659 : i32
      %mul3A_661 = arith.constant 128 : i32
      %mul3A_662 = arith.muli %and3A_654, %mul3A_661 : i32
      %add3A_663 = arith.addi %mul3A_660, %mul3A_662 : i32
      %dma_start3A_664 = arith.constant 0 : i32
      %dma_start3A_665 = tpu.memref_slice %arg6[%add3A_663, %dma_start3A_664] : memref<152576x128xf32, #tpu.memory_space<hbm>> -> memref<128x128xf32, #tpu.memory_space<hbm>>
      %dma_start3A_666 = arith.constant 0 : i32
      %dma_start3A_667 = tpu.memref_slice %arg6[%add3A_663, %dma_start3A_666] : memref<152576x128xf32, #tpu.memory_space<hbm>> -> memref<128x128xf32, #tpu.memory_space<hbm>>
      tpu.enqueue_dma source(%arg9 : memref<128x128xf32, #tpu.memory_space<vmem>>) target(%dma_start3A_667 : memref<128x128xf32, #tpu.memory_space<hbm>>) target_semaphore(%arg22 : memref<!tpu.dma_semaphore, #tpu.memory_space<semaphore_mem>>)
      %mul3A_668 = arith.constant 4 : i32
      %mul3A_669 = arith.muli %scan3A_577, %mul3A_668 : i32
      %add3A_670 = arith.constant 3 : i32
      %add3A_671 = arith.addi %mul3A_669, %add3A_670 : i32
      %dma_wait3A_672 = arith.constant 0 : i32
      %dma_wait3A_673 = tpu.memref_slice %arg13[%add3A_671, %dma_wait3A_672] : memref<13x128xi32, #tpu.memory_space<vmem>> -> memref<1x128xi32, #tpu.memory_space<vmem>>
      %dma_wait3A_674 = tpu.memref_squeeze %dma_wait3A_673 : memref<1x128xi32, #tpu.memory_space<vmem>> -> memref<128xi32, #tpu.memory_space<vmem>>
      %dma_wait3A_675 = arith.constant 0 : i32
      %dma_wait3A_676 = arith.constant 0 : i32
      %dma_wait3A_677 = tpu.memref_slice %arg14[%dma_wait3A_675, %dma_wait3A_676] : memref<1000x128xf32, #tpu.memory_space<vmem_shared>> -> memref<1000x128xf32, #tpu.memory_space<vmem_shared>>
      tpu.wait_indirect_dma semaphore(%arg18 : memref<!tpu.dma_semaphore, #tpu.memory_space<semaphore_mem>>) src(%dma_wait3A_677 : memref<1000x128xf32, #tpu.memory_space<vmem_shared>>) dst(%arg10 : memref<128x128xf32, #tpu.memory_space<vmem>>)
      %mul3A_678 = arith.constant 12 : i32
      %mul3A_679 = arith.muli %add3A, %mul3A_678 : i32
      %add3A_680 = arith.addi %mul3A_679, %add3A_671 : i32
      %shift_right_arithmetic3A_681 = arith.constant 3 : i32
      %shift_right_arithmetic3A_682 = arith.shrsi %add3A_680, %shift_right_arithmetic3A_681 : i32
      %and3A_683 = arith.constant 7 : i32
      %and3A_684 = arith.andi %add3A_680, %and3A_683 : i32
      %mul3A_685 = arith.constant 3 : i32
      %mul3A_686 = arith.muli %mul3A_685, %shift_right_arithmetic3A_682 : i32
      %add3A_687 = arith.constant 2 : i32
      %add3A_688 = arith.addi %mul3A_686, %add3A_687 : i32
      %mul3A_689 = arith.constant 1024 : i32
      %mul3A_690 = arith.muli %add3A_688, %mul3A_689 : i32
      %mul3A_691 = arith.constant 128 : i32
      %mul3A_692 = arith.muli %and3A_684, %mul3A_691 : i32
      %add3A_693 = arith.addi %mul3A_690, %mul3A_692 : i32
      %dma_start3A_694 = arith.constant 0 : i32
      %dma_start3A_695 = tpu.memref_slice %arg6[%add3A_693, %dma_start3A_694] : memref<152576x128xf32, #tpu.memory_space<hbm>> -> memref<128x128xf32, #tpu.memory_space<hbm>>
      %dma_start3A_696 = arith.constant 0 : i32
      %dma_start3A_697 = tpu.memref_slice %arg6[%add3A_693, %dma_start3A_696] : memref<152576x128xf32, #tpu.memory_space<hbm>> -> memref<128x128xf32, #tpu.memory_space<hbm>>
      tpu.enqueue_dma source(%arg10 : memref<128x128xf32, #tpu.memory_space<vmem>>) target(%dma_start3A_697 : memref<128x128xf32, #tpu.memory_space<hbm>>) target_semaphore(%arg23 : memref<!tpu.dma_semaphore, #tpu.memory_space<semaphore_mem>>)
      %mul3A_698 = arith.constant 4 : i32
      %mul3A_699 = arith.muli %scan3A_577, %mul3A_698 : i32
      %add3A_700 = arith.constant 0 : i32
      %add3A_701 = arith.addi %mul3A_699, %add3A_700 : i32
      %mul3A_702 = arith.constant 12 : i32
      %mul3A_703 = arith.muli %add3A, %mul3A_702 : i32
      %add3A_704 = arith.addi %mul3A_703, %add3A_701 : i32
      %shift_right_arithmetic3A_705 = arith.constant 3 : i32
      %shift_right_arithmetic3A_706 = arith.shrsi %add3A_704, %shift_right_arithmetic3A_705 : i32
      %and3A_707 = arith.constant 7 : i32
      %and3A_708 = arith.andi %add3A_704, %and3A_707 : i32
      %mul3A_709 = arith.constant 3 : i32
      %mul3A_710 = arith.muli %mul3A_709, %shift_right_arithmetic3A_706 : i32
      %add3A_711 = arith.constant 2 : i32
      %add3A_712 = arith.addi %mul3A_710, %add3A_711 : i32
      %mul3A_713 = arith.constant 1024 : i32
      %mul3A_714 = arith.muli %add3A_712, %mul3A_713 : i32
      %mul3A_715 = arith.constant 128 : i32
      %mul3A_716 = arith.muli %and3A_708, %mul3A_715 : i32
      %add3A_717 = arith.addi %mul3A_714, %mul3A_716 : i32
      %dma_wait3A_718 = arith.constant 0 : i32
      %dma_wait3A_719 = tpu.memref_slice %arg6[%add3A_717, %dma_wait3A_718] : memref<152576x128xf32, #tpu.memory_space<hbm>> -> memref<128x128xf32, #tpu.memory_space<hbm>>
      %dma_wait3A_720 = arith.constant 0 : i32
      %dma_wait3A_721 = tpu.memref_slice %arg6[%add3A_717, %dma_wait3A_720] : memref<152576x128xf32, #tpu.memory_space<hbm>> -> memref<128x128xf32, #tpu.memory_space<hbm>>
      tpu.wait_dma2 semaphore(%arg20 : memref<!tpu.dma_semaphore, #tpu.memory_space<semaphore_mem>>) src(%arg7 : memref<128x128xf32, #tpu.memory_space<vmem>>) dst(%dma_wait3A_721 : memref<128x128xf32, #tpu.memory_space<hbm>>)
      %add3A_722 = arith.constant 4 : i32
      %add3A_723 = arith.addi %add3A_701, %add3A_722 : i32
      %dma_start3A_724 = arith.constant 0 : i32
      %dma_start3A_725 = tpu.memref_slice %arg13[%add3A_723, %dma_start3A_724] : memref<13x128xi32, #tpu.memory_space<vmem>> -> memref<1x128xi32, #tpu.memory_space<vmem>>
      %dma_start3A_726 = tpu.memref_squeeze %dma_start3A_725 : memref<1x128xi32, #tpu.memory_space<vmem>> -> memref<128xi32, #tpu.memory_space<vmem>>
      %dma_start3A_727 = arith.constant 0 : i32
      %dma_start3A_728 = arith.constant 0 : i32
      %dma_start3A_729 = tpu.memref_slice %arg14[%dma_start3A_727, %dma_start3A_728] : memref<1000x128xf32, #tpu.memory_space<vmem_shared>> -> memref<1000x128xf32, #tpu.memory_space<vmem_shared>>
      tpu.enqueue_indirect_dma source(%dma_start3A_729 : memref<1000x128xf32, #tpu.memory_space<vmem_shared>>) target(%arg7 : memref<128x128xf32, #tpu.memory_space<vmem>>) offsets(%dma_start3A_726 : memref<128xi32, #tpu.memory_space<vmem>>) semaphore(%arg15 : memref<!tpu.dma_semaphore, #tpu.memory_space<semaphore_mem>>)
      %mul3A_730 = arith.constant 4 : i32
      %mul3A_731 = arith.muli %scan3A_577, %mul3A_730 : i32
      %add3A_732 = arith.constant 1 : i32
      %add3A_733 = arith.addi %mul3A_731, %add3A_732 : i32
      %mul3A_734 = arith.constant 12 : i32
      %mul3A_735 = arith.muli %add3A, %mul3A_734 : i32
      %add3A_736 = arith.addi %mul3A_735, %add3A_733 : i32
      %shift_right_arithmetic3A_737 = arith.constant 3 : i32
      %shift_right_arithmetic3A_738 = arith.shrsi %add3A_736, %shift_right_arithmetic3A_737 : i32
      %and3A_739 = arith.constant 7 : i32
      %and3A_740 = arith.andi %add3A_736, %and3A_739 : i32
      %mul3A_741 = arith.constant 3 : i32
      %mul3A_742 = arith.muli %mul3A_741, %shift_right_arithmetic3A_738 : i32
      %add3A_743 = arith.constant 2 : i32
      %add3A_744 = arith.addi %mul3A_742, %add3A_743 : i32
      %mul3A_745 = arith.constant 1024 : i32
      %mul3A_746 = arith.muli %add3A_744, %mul3A_745 : i32
      %mul3A_747 = arith.constant 128 : i32
      %mul3A_748 = arith.muli %and3A_740, %mul3A_747 : i32
      %add3A_749 = arith.addi %mul3A_746, %mul3A_748 : i32
      %dma_wait3A_750 = arith.constant 0 : i32
      %dma_wait3A_751 = tpu.memref_slice %arg6[%add3A_749, %dma_wait3A_750] : memref<152576x128xf32, #tpu.memory_space<hbm>> -> memref<128x128xf32, #tpu.memory_space<hbm>>
      %dma_wait3A_752 = arith.constant 0 : i32
      %dma_wait3A_753 = tpu.memref_slice %arg6[%add3A_749, %dma_wait3A_752] : memref<152576x128xf32, #tpu.memory_space<hbm>> -> memref<128x128xf32, #tpu.memory_space<hbm>>
      tpu.wait_dma2 semaphore(%arg21 : memref<!tpu.dma_semaphore, #tpu.memory_space<semaphore_mem>>) src(%arg8 : memref<128x128xf32, #tpu.memory_space<vmem>>) dst(%dma_wait3A_753 : memref<128x128xf32, #tpu.memory_space<hbm>>)
      %add3A_754 = arith.constant 4 : i32
      %add3A_755 = arith.addi %add3A_733, %add3A_754 : i32
      %dma_start3A_756 = arith.constant 0 : i32
      %dma_start3A_757 = tpu.memref_slice %arg13[%add3A_755, %dma_start3A_756] : memref<13x128xi32, #tpu.memory_space<vmem>> -> memref<1x128xi32, #tpu.memory_space<vmem>>
      %dma_start3A_758 = tpu.memref_squeeze %dma_start3A_757 : memref<1x128xi32, #tpu.memory_space<vmem>> -> memref<128xi32, #tpu.memory_space<vmem>>
      %dma_start3A_759 = arith.constant 0 : i32
      %dma_start3A_760 = arith.constant 0 : i32
      %dma_start3A_761 = tpu.memref_slice %arg14[%dma_start3A_759, %dma_start3A_760] : memref<1000x128xf32, #tpu.memory_space<vmem_shared>> -> memref<1000x128xf32, #tpu.memory_space<vmem_shared>>
      tpu.enqueue_indirect_dma source(%dma_start3A_761 : memref<1000x128xf32, #tpu.memory_space<vmem_shared>>) target(%arg8 : memref<128x128xf32, #tpu.memory_space<vmem>>) offsets(%dma_start3A_758 : memref<128xi32, #tpu.memory_space<vmem>>) semaphore(%arg16 : memref<!tpu.dma_semaphore, #tpu.memory_space<semaphore_mem>>)
      %mul3A_762 = arith.constant 4 : i32
      %mul3A_763 = arith.muli %scan3A_577, %mul3A_762 : i32
      %add3A_764 = arith.constant 2 : i32
      %add3A_765 = arith.addi %mul3A_763, %add3A_764 : i32
      %mul3A_766 = arith.constant 12 : i32
      %mul3A_767 = arith.muli %add3A, %mul3A_766 : i32
      %add3A_768 = arith.addi %mul3A_767, %add3A_765 : i32
      %shift_right_arithmetic3A_769 = arith.constant 3 : i32
      %shift_right_arithmetic3A_770 = arith.shrsi %add3A_768, %shift_right_arithmetic3A_769 : i32
      %and3A_771 = arith.constant 7 : i32
      %and3A_772 = arith.andi %add3A_768, %and3A_771 : i32
      %mul3A_773 = arith.constant 3 : i32
      %mul3A_774 = arith.muli %mul3A_773, %shift_right_arithmetic3A_770 : i32
      %add3A_775 = arith.constant 2 : i32
      %add3A_776 = arith.addi %mul3A_774, %add3A_775 : i32
      %mul3A_777 = arith.constant 1024 : i32
      %mul3A_778 = arith.muli %add3A_776, %mul3A_777 : i32
      %mul3A_779 = arith.constant 128 : i32
      %mul3A_780 = arith.muli %and3A_772, %mul3A_779 : i32
      %add3A_781 = arith.addi %mul3A_778, %mul3A_780 : i32
      %dma_wait3A_782 = arith.constant 0 : i32
      %dma_wait3A_783 = tpu.memref_slice %arg6[%add3A_781, %dma_wait3A_782] : memref<152576x128xf32, #tpu.memory_space<hbm>> -> memref<128x128xf32, #tpu.memory_space<hbm>>
      %dma_wait3A_784 = arith.constant 0 : i32
      %dma_wait3A_785 = tpu.memref_slice %arg6[%add3A_781, %dma_wait3A_784] : memref<152576x128xf32, #tpu.memory_space<hbm>> -> memref<128x128xf32, #tpu.memory_space<hbm>>
      tpu.wait_dma2 semaphore(%arg22 : memref<!tpu.dma_semaphore, #tpu.memory_space<semaphore_mem>>) src(%arg9 : memref<128x128xf32, #tpu.memory_space<vmem>>) dst(%dma_wait3A_785 : memref<128x128xf32, #tpu.memory_space<hbm>>)
      %add3A_786 = arith.constant 4 : i32
      %add3A_787 = arith.addi %add3A_765, %add3A_786 : i32
      %dma_start3A_788 = arith.constant 0 : i32
      %dma_start3A_789 = tpu.memref_slice %arg13[%add3A_787, %dma_start3A_788] : memref<13x128xi32, #tpu.memory_space<vmem>> -> memref<1x128xi32, #tpu.memory_space<vmem>>
      %dma_start3A_790 = tpu.memref_squeeze %dma_start3A_789 : memref<1x128xi32, #tpu.memory_space<vmem>> -> memref<128xi32, #tpu.memory_space<vmem>>
      %dma_start3A_791 = arith.constant 0 : i32
      %dma_start3A_792 = arith.constant 0 : i32
      %dma_start3A_793 = tpu.memref_slice %arg14[%dma_start3A_791, %dma_start3A_792] : memref<1000x128xf32, #tpu.memory_space<vmem_shared>> -> memref<1000x128xf32, #tpu.memory_space<vmem_shared>>
      tpu.enqueue_indirect_dma source(%dma_start3A_793 : memref<1000x128xf32, #tpu.memory_space<vmem_shared>>) target(%arg9 : memref<128x128xf32, #tpu.memory_space<vmem>>) offsets(%dma_start3A_790 : memref<128xi32, #tpu.memory_space<vmem>>) semaphore(%arg17 : memref<!tpu.dma_semaphore, #tpu.memory_space<semaphore_mem>>)
      %mul3A_794 = arith.constant 4 : i32
      %mul3A_795 = arith.muli %scan3A_577, %mul3A_794 : i32
      %add3A_796 = arith.constant 3 : i32
      %add3A_797 = arith.addi %mul3A_795, %add3A_796 : i32
      %mul3A_798 = arith.constant 12 : i32
      %mul3A_799 = arith.muli %add3A, %mul3A_798 : i32
      %add3A_800 = arith.addi %mul3A_799, %add3A_797 : i32
      %shift_right_arithmetic3A_801 = arith.constant 3 : i32
      %shift_right_arithmetic3A_802 = arith.shrsi %add3A_800, %shift_right_arithmetic3A_801 : i32
      %and3A_803 = arith.constant 7 : i32
      %and3A_804 = arith.andi %add3A_800, %and3A_803 : i32
      %mul3A_805 = arith.constant 3 : i32
      %mul3A_806 = arith.muli %mul3A_805, %shift_right_arithmetic3A_802 : i32
      %add3A_807 = arith.constant 2 : i32
      %add3A_808 = arith.addi %mul3A_806, %add3A_807 : i32
      %mul3A_809 = arith.constant 1024 : i32
      %mul3A_810 = arith.muli %add3A_808, %mul3A_809 : i32
      %mul3A_811 = arith.constant 128 : i32
      %mul3A_812 = arith.muli %and3A_804, %mul3A_811 : i32
      %add3A_813 = arith.addi %mul3A_810, %mul3A_812 : i32
      %dma_wait3A_814 = arith.constant 0 : i32
      %dma_wait3A_815 = tpu.memref_slice %arg6[%add3A_813, %dma_wait3A_814] : memref<152576x128xf32, #tpu.memory_space<hbm>> -> memref<128x128xf32, #tpu.memory_space<hbm>>
      %dma_wait3A_816 = arith.constant 0 : i32
      %dma_wait3A_817 = tpu.memref_slice %arg6[%add3A_813, %dma_wait3A_816] : memref<152576x128xf32, #tpu.memory_space<hbm>> -> memref<128x128xf32, #tpu.memory_space<hbm>>
      tpu.wait_dma2 semaphore(%arg23 : memref<!tpu.dma_semaphore, #tpu.memory_space<semaphore_mem>>) src(%arg10 : memref<128x128xf32, #tpu.memory_space<vmem>>) dst(%dma_wait3A_817 : memref<128x128xf32, #tpu.memory_space<hbm>>)
      %add3A_818 = arith.constant 4 : i32
      %add3A_819 = arith.addi %add3A_797, %add3A_818 : i32
      %dma_start3A_820 = arith.constant 0 : i32
      %dma_start3A_821 = tpu.memref_slice %arg13[%add3A_819, %dma_start3A_820] : memref<13x128xi32, #tpu.memory_space<vmem>> -> memref<1x128xi32, #tpu.memory_space<vmem>>
      %dma_start3A_822 = tpu.memref_squeeze %dma_start3A_821 : memref<1x128xi32, #tpu.memory_space<vmem>> -> memref<128xi32, #tpu.memory_space<vmem>>
      %dma_start3A_823 = arith.constant 0 : i32
      %dma_start3A_824 = arith.constant 0 : i32
      %dma_start3A_825 = tpu.memref_slice %arg14[%dma_start3A_823, %dma_start3A_824] : memref<1000x128xf32, #tpu.memory_space<vmem_shared>> -> memref<1000x128xf32, #tpu.memory_space<vmem_shared>>
      tpu.enqueue_indirect_dma source(%dma_start3A_825 : memref<1000x128xf32, #tpu.memory_space<vmem_shared>>) target(%arg10 : memref<128x128xf32, #tpu.memory_space<vmem>>) offsets(%dma_start3A_822 : memref<128xi32, #tpu.memory_space<vmem>>) semaphore(%arg18 : memref<!tpu.dma_semaphore, #tpu.memory_space<semaphore_mem>>)
    }
    %scan3A_368 = arith.constant 2 : i32
    %dma_wait3A_369 = arith.constant 8 : i32
    %dma_wait3A_370 = arith.constant 0 : i32
    %dma_wait3A_371 = tpu.memref_slice %arg13[%dma_wait3A_369, %dma_wait3A_370] : memref<13x128xi32, #tpu.memory_space<vmem>> -> memref<1x128xi32, #tpu.memory_space<vmem>>
    %dma_wait3A_372 = tpu.memref_squeeze %dma_wait3A_371 : memref<1x128xi32, #tpu.memory_space<vmem>> -> memref<128xi32, #tpu.memory_space<vmem>>
    %dma_wait3A_373 = arith.constant 0 : i32
    %dma_wait3A_374 = arith.constant 0 : i32
    %dma_wait3A_375 = tpu.memref_slice %arg14[%dma_wait3A_373, %dma_wait3A_374] : memref<1000x128xf32, #tpu.memory_space<vmem_shared>> -> memref<1000x128xf32, #tpu.memory_space<vmem_shared>>
    tpu.wait_indirect_dma semaphore(%arg15 : memref<!tpu.dma_semaphore, #tpu.memory_space<semaphore_mem>>) src(%dma_wait3A_375 : memref<1000x128xf32, #tpu.memory_space<vmem_shared>>) dst(%arg7 : memref<128x128xf32, #tpu.memory_space<vmem>>)
    %mul3A_376 = arith.constant 12 : i32
    %mul3A_377 = arith.muli %add3A, %mul3A_376 : i32
    %add3A_378 = arith.constant 8 : i32
    %add3A_379 = arith.addi %mul3A_377, %add3A_378 : i32
    %shift_right_arithmetic3A_380 = arith.constant 3 : i32
    %shift_right_arithmetic3A_381 = arith.shrsi %add3A_379, %shift_right_arithmetic3A_380 : i32
    %and3A_382 = arith.constant 7 : i32
    %and3A_383 = arith.andi %add3A_379, %and3A_382 : i32
    %mul3A_384 = arith.constant 3 : i32
    %mul3A_385 = arith.muli %mul3A_384, %shift_right_arithmetic3A_381 : i32
    %add3A_386 = arith.constant 2 : i32
    %add3A_387 = arith.addi %mul3A_385, %add3A_386 : i32
    %mul3A_388 = arith.constant 1024 : i32
    %mul3A_389 = arith.muli %add3A_387, %mul3A_388 : i32
    %mul3A_390 = arith.constant 128 : i32
    %mul3A_391 = arith.muli %and3A_383, %mul3A_390 : i32
    %add3A_392 = arith.addi %mul3A_389, %mul3A_391 : i32
    %dma_start3A_393 = arith.constant 0 : i32
    %dma_start3A_394 = tpu.memref_slice %arg6[%add3A_392, %dma_start3A_393] : memref<152576x128xf32, #tpu.memory_space<hbm>> -> memref<128x128xf32, #tpu.memory_space<hbm>>
    %dma_start3A_395 = arith.constant 0 : i32
    %dma_start3A_396 = tpu.memref_slice %arg6[%add3A_392, %dma_start3A_395] : memref<152576x128xf32, #tpu.memory_space<hbm>> -> memref<128x128xf32, #tpu.memory_space<hbm>>
    tpu.enqueue_dma source(%arg7 : memref<128x128xf32, #tpu.memory_space<vmem>>) target(%dma_start3A_396 : memref<128x128xf32, #tpu.memory_space<hbm>>) target_semaphore(%arg20 : memref<!tpu.dma_semaphore, #tpu.memory_space<semaphore_mem>>)
    %dma_wait3A_397 = arith.constant 9 : i32
    %dma_wait3A_398 = arith.constant 0 : i32
    %dma_wait3A_399 = tpu.memref_slice %arg13[%dma_wait3A_397, %dma_wait3A_398] : memref<13x128xi32, #tpu.memory_space<vmem>> -> memref<1x128xi32, #tpu.memory_space<vmem>>
    %dma_wait3A_400 = tpu.memref_squeeze %dma_wait3A_399 : memref<1x128xi32, #tpu.memory_space<vmem>> -> memref<128xi32, #tpu.memory_space<vmem>>
    %dma_wait3A_401 = arith.constant 0 : i32
    %dma_wait3A_402 = arith.constant 0 : i32
    %dma_wait3A_403 = tpu.memref_slice %arg14[%dma_wait3A_401, %dma_wait3A_402] : memref<1000x128xf32, #tpu.memory_space<vmem_shared>> -> memref<1000x128xf32, #tpu.memory_space<vmem_shared>>
    tpu.wait_indirect_dma semaphore(%arg16 : memref<!tpu.dma_semaphore, #tpu.memory_space<semaphore_mem>>) src(%dma_wait3A_403 : memref<1000x128xf32, #tpu.memory_space<vmem_shared>>) dst(%arg8 : memref<128x128xf32, #tpu.memory_space<vmem>>)
    %mul3A_404 = arith.constant 12 : i32
    %mul3A_405 = arith.muli %add3A, %mul3A_404 : i32
    %add3A_406 = arith.constant 9 : i32
    %add3A_407 = arith.addi %mul3A_405, %add3A_406 : i32
    %shift_right_arithmetic3A_408 = arith.constant 3 : i32
    %shift_right_arithmetic3A_409 = arith.shrsi %add3A_407, %shift_right_arithmetic3A_408 : i32
    %and3A_410 = arith.constant 7 : i32
    %and3A_411 = arith.andi %add3A_407, %and3A_410 : i32
    %mul3A_412 = arith.constant 3 : i32
    %mul3A_413 = arith.muli %mul3A_412, %shift_right_arithmetic3A_409 : i32
    %add3A_414 = arith.constant 2 : i32
    %add3A_415 = arith.addi %mul3A_413, %add3A_414 : i32
    %mul3A_416 = arith.constant 1024 : i32
    %mul3A_417 = arith.muli %add3A_415, %mul3A_416 : i32
    %mul3A_418 = arith.constant 128 : i32
    %mul3A_419 = arith.muli %and3A_411, %mul3A_418 : i32
    %add3A_420 = arith.addi %mul3A_417, %mul3A_419 : i32
    %dma_start3A_421 = arith.constant 0 : i32
    %dma_start3A_422 = tpu.memref_slice %arg6[%add3A_420, %dma_start3A_421] : memref<152576x128xf32, #tpu.memory_space<hbm>> -> memref<128x128xf32, #tpu.memory_space<hbm>>
    %dma_start3A_423 = arith.constant 0 : i32
    %dma_start3A_424 = tpu.memref_slice %arg6[%add3A_420, %dma_start3A_423] : memref<152576x128xf32, #tpu.memory_space<hbm>> -> memref<128x128xf32, #tpu.memory_space<hbm>>
    tpu.enqueue_dma source(%arg8 : memref<128x128xf32, #tpu.memory_space<vmem>>) target(%dma_start3A_424 : memref<128x128xf32, #tpu.memory_space<hbm>>) target_semaphore(%arg21 : memref<!tpu.dma_semaphore, #tpu.memory_space<semaphore_mem>>)
    %dma_wait3A_425 = arith.constant 10 : i32
    %dma_wait3A_426 = arith.constant 0 : i32
    %dma_wait3A_427 = tpu.memref_slice %arg13[%dma_wait3A_425, %dma_wait3A_426] : memref<13x128xi32, #tpu.memory_space<vmem>> -> memref<1x128xi32, #tpu.memory_space<vmem>>
    %dma_wait3A_428 = tpu.memref_squeeze %dma_wait3A_427 : memref<1x128xi32, #tpu.memory_space<vmem>> -> memref<128xi32, #tpu.memory_space<vmem>>
    %dma_wait3A_429 = arith.constant 0 : i32
    %dma_wait3A_430 = arith.constant 0 : i32
    %dma_wait3A_431 = tpu.memref_slice %arg14[%dma_wait3A_429, %dma_wait3A_430] : memref<1000x128xf32, #tpu.memory_space<vmem_shared>> -> memref<1000x128xf32, #tpu.memory_space<vmem_shared>>
    tpu.wait_indirect_dma semaphore(%arg17 : memref<!tpu.dma_semaphore, #tpu.memory_space<semaphore_mem>>) src(%dma_wait3A_431 : memref<1000x128xf32, #tpu.memory_space<vmem_shared>>) dst(%arg9 : memref<128x128xf32, #tpu.memory_space<vmem>>)
    %mul3A_432 = arith.constant 12 : i32
    %mul3A_433 = arith.muli %add3A, %mul3A_432 : i32
    %add3A_434 = arith.constant 10 : i32
    %add3A_435 = arith.addi %mul3A_433, %add3A_434 : i32
    %shift_right_arithmetic3A_436 = arith.constant 3 : i32
    %shift_right_arithmetic3A_437 = arith.shrsi %add3A_435, %shift_right_arithmetic3A_436 : i32
    %and3A_438 = arith.constant 7 : i32
    %and3A_439 = arith.andi %add3A_435, %and3A_438 : i32
    %mul3A_440 = arith.constant 3 : i32
    %mul3A_441 = arith.muli %mul3A_440, %shift_right_arithmetic3A_437 : i32
    %add3A_442 = arith.constant 2 : i32
    %add3A_443 = arith.addi %mul3A_441, %add3A_442 : i32
    %mul3A_444 = arith.constant 1024 : i32
    %mul3A_445 = arith.muli %add3A_443, %mul3A_444 : i32
    %mul3A_446 = arith.constant 128 : i32
    %mul3A_447 = arith.muli %and3A_439, %mul3A_446 : i32
    %add3A_448 = arith.addi %mul3A_445, %mul3A_447 : i32
    %dma_start3A_449 = arith.constant 0 : i32
    %dma_start3A_450 = tpu.memref_slice %arg6[%add3A_448, %dma_start3A_449] : memref<152576x128xf32, #tpu.memory_space<hbm>> -> memref<128x128xf32, #tpu.memory_space<hbm>>
    %dma_start3A_451 = arith.constant 0 : i32
    %dma_start3A_452 = tpu.memref_slice %arg6[%add3A_448, %dma_start3A_451] : memref<152576x128xf32, #tpu.memory_space<hbm>> -> memref<128x128xf32, #tpu.memory_space<hbm>>
    tpu.enqueue_dma source(%arg9 : memref<128x128xf32, #tpu.memory_space<vmem>>) target(%dma_start3A_452 : memref<128x128xf32, #tpu.memory_space<hbm>>) target_semaphore(%arg22 : memref<!tpu.dma_semaphore, #tpu.memory_space<semaphore_mem>>)
    %dma_wait3A_453 = arith.constant 11 : i32
    %dma_wait3A_454 = arith.constant 0 : i32
    %dma_wait3A_455 = tpu.memref_slice %arg13[%dma_wait3A_453, %dma_wait3A_454] : memref<13x128xi32, #tpu.memory_space<vmem>> -> memref<1x128xi32, #tpu.memory_space<vmem>>
    %dma_wait3A_456 = tpu.memref_squeeze %dma_wait3A_455 : memref<1x128xi32, #tpu.memory_space<vmem>> -> memref<128xi32, #tpu.memory_space<vmem>>
    %dma_wait3A_457 = arith.constant 0 : i32
    %dma_wait3A_458 = arith.constant 0 : i32
    %dma_wait3A_459 = tpu.memref_slice %arg14[%dma_wait3A_457, %dma_wait3A_458] : memref<1000x128xf32, #tpu.memory_space<vmem_shared>> -> memref<1000x128xf32, #tpu.memory_space<vmem_shared>>
    tpu.wait_indirect_dma semaphore(%arg18 : memref<!tpu.dma_semaphore, #tpu.memory_space<semaphore_mem>>) src(%dma_wait3A_459 : memref<1000x128xf32, #tpu.memory_space<vmem_shared>>) dst(%arg10 : memref<128x128xf32, #tpu.memory_space<vmem>>)
    %mul3A_460 = arith.constant 12 : i32
    %mul3A_461 = arith.muli %add3A, %mul3A_460 : i32
    %add3A_462 = arith.constant 11 : i32
    %add3A_463 = arith.addi %mul3A_461, %add3A_462 : i32
    %shift_right_arithmetic3A_464 = arith.constant 3 : i32
    %shift_right_arithmetic3A_465 = arith.shrsi %add3A_463, %shift_right_arithmetic3A_464 : i32
    %and3A_466 = arith.constant 7 : i32
    %and3A_467 = arith.andi %add3A_463, %and3A_466 : i32
    %mul3A_468 = arith.constant 3 : i32
    %mul3A_469 = arith.muli %mul3A_468, %shift_right_arithmetic3A_465 : i32
    %add3A_470 = arith.constant 2 : i32
    %add3A_471 = arith.addi %mul3A_469, %add3A_470 : i32
    %mul3A_472 = arith.constant 1024 : i32
    %mul3A_473 = arith.muli %add3A_471, %mul3A_472 : i32
    %mul3A_474 = arith.constant 128 : i32
    %mul3A_475 = arith.muli %and3A_467, %mul3A_474 : i32
    %add3A_476 = arith.addi %mul3A_473, %mul3A_475 : i32
    %dma_start3A_477 = arith.constant 0 : i32
    %dma_start3A_478 = tpu.memref_slice %arg6[%add3A_476, %dma_start3A_477] : memref<152576x128xf32, #tpu.memory_space<hbm>> -> memref<128x128xf32, #tpu.memory_space<hbm>>
    %dma_start3A_479 = arith.constant 0 : i32
    %dma_start3A_480 = tpu.memref_slice %arg6[%add3A_476, %dma_start3A_479] : memref<152576x128xf32, #tpu.memory_space<hbm>> -> memref<128x128xf32, #tpu.memory_space<hbm>>
    tpu.enqueue_dma source(%arg10 : memref<128x128xf32, #tpu.memory_space<vmem>>) target(%dma_start3A_480 : memref<128x128xf32, #tpu.memory_space<hbm>>) target_semaphore(%arg23 : memref<!tpu.dma_semaphore, #tpu.memory_space<semaphore_mem>>)
    %mul3A_481 = arith.constant 12 : i32
    %mul3A_482 = arith.muli %add3A, %mul3A_481 : i32
    %add3A_483 = arith.constant 8 : i32
    %add3A_484 = arith.addi %mul3A_482, %add3A_483 : i32
    %add3A_485 = arith.constant 0 : i32
    %add3A_486 = arith.addi %add3A_484, %add3A_485 : i32
    %shift_right_arithmetic3A_487 = arith.constant 3 : i32
    %shift_right_arithmetic3A_488 = arith.shrsi %add3A_486, %shift_right_arithmetic3A_487 : i32
    %and3A_489 = arith.constant 7 : i32
    %and3A_490 = arith.andi %add3A_486, %and3A_489 : i32
    %mul3A_491 = arith.constant 3 : i32
    %mul3A_492 = arith.muli %mul3A_491, %shift_right_arithmetic3A_488 : i32
    %add3A_493 = arith.constant 2 : i32
    %add3A_494 = arith.addi %mul3A_492, %add3A_493 : i32
    %mul3A_495 = arith.constant 1024 : i32
    %mul3A_496 = arith.muli %add3A_494, %mul3A_495 : i32
    %mul3A_497 = arith.constant 128 : i32
    %mul3A_498 = arith.muli %and3A_490, %mul3A_497 : i32
    %add3A_499 = arith.addi %mul3A_496, %mul3A_498 : i32
    %dma_wait3A_500 = arith.constant 0 : i32
    %dma_wait3A_501 = tpu.memref_slice %arg6[%add3A_499, %dma_wait3A_500] : memref<152576x128xf32, #tpu.memory_space<hbm>> -> memref<128x128xf32, #tpu.memory_space<hbm>>
    %dma_wait3A_502 = arith.constant 0 : i32
    %dma_wait3A_503 = tpu.memref_slice %arg6[%add3A_499, %dma_wait3A_502] : memref<152576x128xf32, #tpu.memory_space<hbm>> -> memref<128x128xf32, #tpu.memory_space<hbm>>
    tpu.wait_dma2 semaphore(%arg20 : memref<!tpu.dma_semaphore, #tpu.memory_space<semaphore_mem>>) src(%arg7 : memref<128x128xf32, #tpu.memory_space<vmem>>) dst(%dma_wait3A_503 : memref<128x128xf32, #tpu.memory_space<hbm>>)
    %mul3A_504 = arith.constant 12 : i32
    %mul3A_505 = arith.muli %add3A, %mul3A_504 : i32
    %add3A_506 = arith.constant 8 : i32
    %add3A_507 = arith.addi %mul3A_505, %add3A_506 : i32
    %add3A_508 = arith.constant 1 : i32
    %add3A_509 = arith.addi %add3A_507, %add3A_508 : i32
    %shift_right_arithmetic3A_510 = arith.constant 3 : i32
    %shift_right_arithmetic3A_511 = arith.shrsi %add3A_509, %shift_right_arithmetic3A_510 : i32
    %and3A_512 = arith.constant 7 : i32
    %and3A_513 = arith.andi %add3A_509, %and3A_512 : i32
    %mul3A_514 = arith.constant 3 : i32
    %mul3A_515 = arith.muli %mul3A_514, %shift_right_arithmetic3A_511 : i32
    %add3A_516 = arith.constant 2 : i32
    %add3A_517 = arith.addi %mul3A_515, %add3A_516 : i32
    %mul3A_518 = arith.constant 1024 : i32
    %mul3A_519 = arith.muli %add3A_517, %mul3A_518 : i32
    %mul3A_520 = arith.constant 128 : i32
    %mul3A_521 = arith.muli %and3A_513, %mul3A_520 : i32
    %add3A_522 = arith.addi %mul3A_519, %mul3A_521 : i32
    %dma_wait3A_523 = arith.constant 0 : i32
    %dma_wait3A_524 = tpu.memref_slice %arg6[%add3A_522, %dma_wait3A_523] : memref<152576x128xf32, #tpu.memory_space<hbm>> -> memref<128x128xf32, #tpu.memory_space<hbm>>
    %dma_wait3A_525 = arith.constant 0 : i32
    %dma_wait3A_526 = tpu.memref_slice %arg6[%add3A_522, %dma_wait3A_525] : memref<152576x128xf32, #tpu.memory_space<hbm>> -> memref<128x128xf32, #tpu.memory_space<hbm>>
    tpu.wait_dma2 semaphore(%arg21 : memref<!tpu.dma_semaphore, #tpu.memory_space<semaphore_mem>>) src(%arg8 : memref<128x128xf32, #tpu.memory_space<vmem>>) dst(%dma_wait3A_526 : memref<128x128xf32, #tpu.memory_space<hbm>>)
    %mul3A_527 = arith.constant 12 : i32
    %mul3A_528 = arith.muli %add3A, %mul3A_527 : i32
    %add3A_529 = arith.constant 8 : i32
    %add3A_530 = arith.addi %mul3A_528, %add3A_529 : i32
    %add3A_531 = arith.constant 2 : i32
    %add3A_532 = arith.addi %add3A_530, %add3A_531 : i32
    %shift_right_arithmetic3A_533 = arith.constant 3 : i32
    %shift_right_arithmetic3A_534 = arith.shrsi %add3A_532, %shift_right_arithmetic3A_533 : i32
    %and3A_535 = arith.constant 7 : i32
    %and3A_536 = arith.andi %add3A_532, %and3A_535 : i32
    %mul3A_537 = arith.constant 3 : i32
    %mul3A_538 = arith.muli %mul3A_537, %shift_right_arithmetic3A_534 : i32
    %add3A_539 = arith.constant 2 : i32
    %add3A_540 = arith.addi %mul3A_538, %add3A_539 : i32
    %mul3A_541 = arith.constant 1024 : i32
    %mul3A_542 = arith.muli %add3A_540, %mul3A_541 : i32
    %mul3A_543 = arith.constant 128 : i32
    %mul3A_544 = arith.muli %and3A_536, %mul3A_543 : i32
    %add3A_545 = arith.addi %mul3A_542, %mul3A_544 : i32
    %dma_wait3A_546 = arith.constant 0 : i32
    %dma_wait3A_547 = tpu.memref_slice %arg6[%add3A_545, %dma_wait3A_546] : memref<152576x128xf32, #tpu.memory_space<hbm>> -> memref<128x128xf32, #tpu.memory_space<hbm>>
    %dma_wait3A_548 = arith.constant 0 : i32
    %dma_wait3A_549 = tpu.memref_slice %arg6[%add3A_545, %dma_wait3A_548] : memref<152576x128xf32, #tpu.memory_space<hbm>> -> memref<128x128xf32, #tpu.memory_space<hbm>>
    tpu.wait_dma2 semaphore(%arg22 : memref<!tpu.dma_semaphore, #tpu.memory_space<semaphore_mem>>) src(%arg9 : memref<128x128xf32, #tpu.memory_space<vmem>>) dst(%dma_wait3A_549 : memref<128x128xf32, #tpu.memory_space<hbm>>)
    %mul3A_550 = arith.constant 12 : i32
    %mul3A_551 = arith.muli %add3A, %mul3A_550 : i32
    %add3A_552 = arith.constant 8 : i32
    %add3A_553 = arith.addi %mul3A_551, %add3A_552 : i32
    %add3A_554 = arith.constant 3 : i32
    %add3A_555 = arith.addi %add3A_553, %add3A_554 : i32
    %shift_right_arithmetic3A_556 = arith.constant 3 : i32
    %shift_right_arithmetic3A_557 = arith.shrsi %add3A_555, %shift_right_arithmetic3A_556 : i32
    %and3A_558 = arith.constant 7 : i32
    %and3A_559 = arith.andi %add3A_555, %and3A_558 : i32
    %mul3A_560 = arith.constant 3 : i32
    %mul3A_561 = arith.muli %mul3A_560, %shift_right_arithmetic3A_557 : i32
    %add3A_562 = arith.constant 2 : i32
    %add3A_563 = arith.addi %mul3A_561, %add3A_562 : i32
    %mul3A_564 = arith.constant 1024 : i32
    %mul3A_565 = arith.muli %add3A_563, %mul3A_564 : i32
    %mul3A_566 = arith.constant 128 : i32
    %mul3A_567 = arith.muli %and3A_559, %mul3A_566 : i32
    %add3A_568 = arith.addi %mul3A_565, %mul3A_567 : i32
    %dma_wait3A_569 = arith.constant 0 : i32
    %dma_wait3A_570 = tpu.memref_slice %arg6[%add3A_568, %dma_wait3A_569] : memref<152576x128xf32, #tpu.memory_space<hbm>> -> memref<128x128xf32, #tpu.memory_space<hbm>>
    %dma_wait3A_571 = arith.constant 0 : i32
    %dma_wait3A_572 = tpu.memref_slice %arg6[%add3A_568, %dma_wait3A_571] : memref<152576x128xf32, #tpu.memory_space<hbm>> -> memref<128x128xf32, #tpu.memory_space<hbm>>
    tpu.wait_dma2 semaphore(%arg23 : memref<!tpu.dma_semaphore, #tpu.memory_space<semaphore_mem>>) src(%arg10 : memref<128x128xf32, #tpu.memory_space<vmem>>) dst(%dma_wait3A_572 : memref<128x128xf32, #tpu.memory_space<hbm>>)
    %lt3A = arith.constant 8 : i32
    %lt3A_573 = arith.cmpi slt, %add3A, %lt3A : i32
    %convert_element_type3A_574 = arith.extui %lt3A_573 : i1 to i32
    %cond3A_575 = arith.constant 0 : i32
    %cond3A_576 = arith.cmpi ne, %convert_element_type3A_574, %cond3A_575 : i32
    scf.if %cond3A_576 {
      %dma_start3A_577 = arith.constant 12 : i32
      %dma_start3A_578 = arith.constant 0 : i32
      %dma_start3A_579 = tpu.memref_slice %arg13[%dma_start3A_577, %dma_start3A_578] : memref<13x128xi32, #tpu.memory_space<vmem>> -> memref<1x128xi32, #tpu.memory_space<vmem>>
      %dma_start3A_580 = tpu.memref_squeeze %dma_start3A_579 : memref<1x128xi32, #tpu.memory_space<vmem>> -> memref<128xi32, #tpu.memory_space<vmem>>
      %dma_start3A_581 = arith.constant 0 : i32
      %dma_start3A_582 = arith.constant 0 : i32
      %dma_start3A_583 = tpu.memref_slice %arg14[%dma_start3A_581, %dma_start3A_582] : memref<1000x128xf32, #tpu.memory_space<vmem_shared>> -> memref<1000x128xf32, #tpu.memory_space<vmem_shared>>
      tpu.enqueue_indirect_dma source(%dma_start3A_583 : memref<1000x128xf32, #tpu.memory_space<vmem_shared>>) target(%arg7 : memref<128x128xf32, #tpu.memory_space<vmem>>) offsets(%dma_start3A_580 : memref<128xi32, #tpu.memory_space<vmem>>) semaphore(%arg15 : memref<!tpu.dma_semaphore, #tpu.memory_space<semaphore_mem>>)
      %dma_wait3A_584 = arith.constant 12 : i32
      %dma_wait3A_585 = arith.constant 0 : i32
      %dma_wait3A_586 = tpu.memref_slice %arg13[%dma_wait3A_584, %dma_wait3A_585] : memref<13x128xi32, #tpu.memory_space<vmem>> -> memref<1x128xi32, #tpu.memory_space<vmem>>
      %dma_wait3A_587 = tpu.memref_squeeze %dma_wait3A_586 : memref<1x128xi32, #tpu.memory_space<vmem>> -> memref<128xi32, #tpu.memory_space<vmem>>
      %dma_wait3A_588 = arith.constant 0 : i32
      %dma_wait3A_589 = arith.constant 0 : i32
      %dma_wait3A_590 = tpu.memref_slice %arg14[%dma_wait3A_588, %dma_wait3A_589] : memref<1000x128xf32, #tpu.memory_space<vmem_shared>> -> memref<1000x128xf32, #tpu.memory_space<vmem_shared>>
      tpu.wait_indirect_dma semaphore(%arg15 : memref<!tpu.dma_semaphore, #tpu.memory_space<semaphore_mem>>) src(%dma_wait3A_590 : memref<1000x128xf32, #tpu.memory_space<vmem_shared>>) dst(%arg7 : memref<128x128xf32, #tpu.memory_space<vmem>>)
      %add3A_591 = arith.constant 384 : i32
      %add3A_592 = arith.addi %add3A_591, %add3A : i32
      %shift_right_arithmetic3A_593 = arith.constant 3 : i32
      %shift_right_arithmetic3A_594 = arith.shrsi %add3A_592, %shift_right_arithmetic3A_593 : i32
      %and3A_595 = arith.constant 7 : i32
      %and3A_596 = arith.andi %add3A_592, %and3A_595 : i32
      %mul3A_597 = arith.constant 3 : i32
      %mul3A_598 = arith.muli %mul3A_597, %shift_right_arithmetic3A_594 : i32
      %add3A_599 = arith.constant 2 : i32
      %add3A_600 = arith.addi %mul3A_598, %add3A_599 : i32
      %mul3A_601 = arith.constant 1024 : i32
      %mul3A_602 = arith.muli %add3A_600, %mul3A_601 : i32
      %mul3A_603 = arith.constant 128 : i32
      %mul3A_604 = arith.muli %and3A_596, %mul3A_603 : i32
      %add3A_605 = arith.addi %mul3A_602, %mul3A_604 : i32
      %dma_start3A_606 = arith.constant 0 : i32
      %dma_start3A_607 = tpu.memref_slice %arg6[%add3A_605, %dma_start3A_606] : memref<152576x128xf32, #tpu.memory_space<hbm>> -> memref<128x128xf32, #tpu.memory_space<hbm>>
      %dma_start3A_608 = arith.constant 0 : i32
      %dma_start3A_609 = tpu.memref_slice %arg6[%add3A_605, %dma_start3A_608] : memref<152576x128xf32, #tpu.memory_space<hbm>> -> memref<128x128xf32, #tpu.memory_space<hbm>>
      tpu.enqueue_dma source(%arg7 : memref<128x128xf32, #tpu.memory_space<vmem>>) target(%dma_start3A_609 : memref<128x128xf32, #tpu.memory_space<hbm>>) target_semaphore(%arg20 : memref<!tpu.dma_semaphore, #tpu.memory_space<semaphore_mem>>)
      %dma_wait3A_610 = arith.constant 0 : i32
      %dma_wait3A_611 = tpu.memref_slice %arg6[%add3A_605, %dma_wait3A_610] : memref<152576x128xf32, #tpu.memory_space<hbm>> -> memref<128x128xf32, #tpu.memory_space<hbm>>
      %dma_wait3A_612 = arith.constant 0 : i32
      %dma_wait3A_613 = tpu.memref_slice %arg6[%add3A_605, %dma_wait3A_612] : memref<152576x128xf32, #tpu.memory_space<hbm>> -> memref<128x128xf32, #tpu.memory_space<hbm>>
      tpu.wait_dma2 semaphore(%arg20 : memref<!tpu.dma_semaphore, #tpu.memory_space<semaphore_mem>>) src(%arg7 : memref<128x128xf32, #tpu.memory_space<vmem>>) dst(%dma_wait3A_613 : memref<128x128xf32, #tpu.memory_space<hbm>>)
    } else {
    }
    return
  }
}

</mosaic_0001>

<sc_bundles>
// kernel: kernel.3.cloned.1.call-start
scs
__scs_entry_jumppad:
0x0: {  	(pc) =	sbr.rel $0x88, $3  }
0x1: {  	(tag) =	ssettag $0x0;
	lr =	simm.s32 $0x1  }
0x2: {  	[smem:$0x3F9D] =	sst lr;
	_ =	strace $0xD0000000  }
0x3: {  	_ = 	snop  }
0x4: {  	_ = 	snop  }
0x5: {  	_ = 	snop  }
0x6: {  	_ = 	snop  }
0x7: {  	_ = 	snop  }
__scs_overlays_trampoline_lowered:
0x8: {  	[smem:$0x3FAC] =	sst s0  }
0x9: {  	[smem:$0x3FAD] =	sst s1  }
0xa: {  	[smem:$0x3FAE] =	sst s2  }
0xb: {  	[smem:$0x3FAF] =	sst s3  }
0xc: {  	[smem:$0x3FB0] =	sst s4  }
0xd: {  	[smem:$0x3FB1] =	sst s5  }
0xe: {  	[smem:$0x3FB2] =	sst s6  }
0xf: {  	[smem:$0x3FB3] =	sst s7  }
0x10: {  	[smem:$0x3FB4] =	sst s8  }
0x11: {  	[smem:$0x3FB5] =	sst s9;
	s0 =	simm.s32 @!p0 $0x0  }
0x12: {  	s1 =	sld [smem:$0x3F9B];
	s0 =	simm.s32 @p0 $0x1  }
0x13: {  	[smem:$0x3FB6] =	sst s0;
	s0 =	simm.s32 @!p1 $0x0  }
0x14: {  	s2 =	sld [smem:$0x3F9A];
	s0 =	simm.s32 @p1 $0x1  }
0x15: {  	[smem:$0x3FB7] =	sst s0;
	s0 =	simm.s32 @!p2 $0x0  }
0x16: {  	s3 =	sld [smem:$0x3FDB];
	s0 =	simm.s32 @p2 $0x1  }
0x17: {  	s4 =	simm.s32 $0x1BF5;
	[smem:$0x3FB9] =	sst s0  }
0x18: {  	s0 =	sld [smem:$0x3F9C];
	_ =	swait.ge [sflag:s4], $0x0  }
0x19: {  	s7 =	sld [smem:$0x3F9D]  }
0x1a: {  	s8 =	sadd.s32 $0xFFFFE003, lr  }
0x1b: {  	s9 =	sadd.s32 $0xFFFFFEF7, lr;
	s5 =	simm.s32 $0xFFFFFFFF;
	p2 =	slt.u32 s8, $0xFFFFF086  }
0x1c: {  	p1 =	slt.u32 s9, $0xF7A;
	s5 =	simm.s32 @!p2 $0x0  }
0x1d: {  	s5 =	simm.s32 @p1 $0x1;
	p0 =	seq.s32 s7, s2  }
0x1e: {  	s7 =	smul.u32 @!p0 $0xF7A, s2;
	p2 =	seq.s32 @!p0 s5, $0x0  }
0x1f: {  	s9 =	smul.u32 $0xF7A, s1;
	s8 =	simm.s32 @!p0 $0x1BF5;
	p2 =	por !p2, p0  }
0x20: {  	[sflag:s8] =	ssyncset.s32 @!p0 $0xFFFFF086;
	s6 =	sadd.s32 @!p0 s3, s7;
	s7 =	simm.s32 @!p0 $0x108  }
0x21: {  	s3 =	sadd.s32 s3, s9;
	s6 =	sadd.s32 @!p0 $0x88, s6;
	s7 =	simm.s32 @p2 $0x1082  }
0x22: {  	[simem:s7], [sflag:s8] =	dma.local @!p0 [hbm:s6], $0xF7A  }
0x23: {  	s9 =	sor.u32 $0xD0000000, s2;
	s6 =	simm.s32 $0x108;
	_ =	swait.ge @!p0 [sflag:s8], $0x0  }
0x24: {  	s3 =	sadd.s32 $0x88, s3;
	s6 =	simm.s32 @!p1 $0x1082;
	[sflag:s4] =	ssyncset.s32 $0xFFFFF086  }
0x25: {  	[simem:s6], [sflag:s4] =	dma.local [hbm:s3], $0xF7A  }
0x26: {  	[smem:$0x3F9D] =	sst s1;
	(tag) =	ssettag s2;
	_ =	strace s9  }
0x27: {  	s1 =	sld [smem:$0x3FAD]  }
0x28: {  	s2 =	sld [smem:$0x3FAE]  }
0x29: {  	s4 =	sld [smem:$0x3FB0]  }
0x2a: {  	p0 =	seq.s32 s5, $0x0;
	s5 =	sld [smem:$0x3FB1]  }
0x2b: {  	s6 =	sld [smem:$0x3FB2]  }
0x2c: {  	s7 =	sld [smem:$0x3FB3]  }
0x2d: {  	s3 =	simm.s32 $0x108;
	s8 =	sld [smem:$0x3FB4]  }
0x2e: {  	s3 =	simm.s32 @!p0 $0x1082;
	s9 =	sld [smem:$0x3FB5]  }
0x2f: {  	lr =	sadd.s32 s0, s3;
	s0 =	sld [smem:$0x3FAC]  }
0x30: {  	s3 =	sld [smem:$0x3FAF]  }
0x31: {  	[smem:$0x3FB8] =	sst s10  }
0x32: {  	s10 =	sld [smem:$0x3FB6];
	_ =	sdelay $0x3  }
0x33: {  	p0 =	seq.s32 s10, $0x1;
	s10 =	sld [smem:$0x3FB8];
	_ =	sdelay $0x3  }
0x34: {  	[smem:$0x3FB8] =	sst s10  }
0x35: {  	s10 =	sld [smem:$0x3FB7];
	_ =	sdelay $0x3  }
0x36: {  	p1 =	seq.s32 s10, $0x1;
	s10 =	sld [smem:$0x3FB8];
	_ =	sdelay $0x3  }
0x37: {  	[smem:$0x3FB8] =	sst s10  }
0x38: {  	s10 =	sld [smem:$0x3FB9]  }
0x39: {  	_ = 	snop;
	(pc) =	sbr.ind lr, $3  }
0x3a: {  	_ = 	snop  }
0x3b: {  	_ = 	snop  }
0x3c: {  	p2 =	seq.s32 s10, $0x1;
	s10 =	sld [smem:$0x3FB8]  }
0x3d: {  	_ =	shalt  }
0x3e: {  	_ =	shalt  }
0x3f: {  	_ =	shalt  }
0x40: {  	_ =	shalt  }
0x41: {  	_ =	shalt  }
0x42: {  	_ =	shalt  }
0x43: {  	_ =	shalt  }
0x44: {  	_ =	shalt  }
0x45: {  	_ =	shalt  }
0x46: {  	_ =	shalt  }
0x47: {  	_ =	shalt  }
0x48: {  	_ =	shalt  }
0x49: {  	_ =	shalt  }
0x4a: {  	_ =	shalt  }
0x4b: {  	_ =	shalt  }
0x4c: {  	_ =	shalt  }
0x4d: {  	_ =	shalt  }
0x4e: {  	_ =	shalt  }
0x4f: {  	_ =	shalt  }
0x50: {  	_ =	shalt  }
0x51: {  	_ =	shalt  }
0x52: {  	_ =	shalt  }
0x53: {  	_ =	shalt  }
0x54: {  	_ =	shalt  }
0x55: {  	_ =	shalt  }
0x56: {  	_ =	shalt  }
0x57: {  	_ =	shalt  }
0x58: {  	_ =	shalt  }
0x59: {  	_ =	shalt  }
0x5a: {  	_ =	shalt  }
0x5b: {  	_ =	shalt  }
0x5c: {  	_ =	shalt  }
0x5d: {  	_ =	shalt  }
0x5e: {  	_ =	shalt  }
0x5f: {  	_ =	shalt  }
0x60: {  	_ =	shalt  }
0x61: {  	_ =	shalt  }
0x62: {  	_ =	shalt  }
0x63: {  	_ =	shalt  }
0x64: {  	_ =	shalt  }
0x65: {  	_ =	shalt  }
0x66: {  	_ =	shalt  }
0x67: {  	_ =	shalt  }
0x68: {  	_ =	shalt  }
0x69: {  	_ =	shalt  }
0x6a: {  	_ =	shalt  }
0x6b: {  	_ =	shalt  }
0x6c: {  	_ =	shalt  }
0x6d: {  	_ =	shalt  }
0x6e: {  	_ =	shalt  }
0x6f: {  	_ =	shalt  }
0x70: {  	_ =	shalt  }
0x71: {  	_ =	shalt  }
0x72: {  	_ =	shalt  }
0x73: {  	_ =	shalt  }
0x74: {  	_ =	shalt  }
0x75: {  	_ =	shalt  }
0x76: {  	_ =	shalt  }
0x77: {  	_ =	shalt  }
0x78: {  	_ =	shalt  }
0x79: {  	_ =	shalt  }
0x7a: {  	_ =	shalt  }
0x7b: {  	_ =	shalt  }
0x7c: {  	_ =	shalt  }
0x7d: {  	_ =	shalt  }
0x7e: {  	_ =	shalt  }
0x7f: {  	_ =	shalt  }
0x80: {  	_ =	shalt  }
0x81: {  	_ =	shalt  }
0x82: {  	_ =	shalt  }
0x83: {  	_ =	shalt  }
0x84: {  	_ =	shalt  }
0x85: {  	_ =	shalt  }
0x86: {  	_ =	shalt  }
0x87: {  	_ =	shalt  }
.Lfunc_end0:
.L_simem_size_0:
called_computation_lowered:
.L_overlay_start_0:
0x88: {  	s2 =	sld [smem:$0x3FD9]  }
0x89: {  	s3 =	sld [smem:$0x3FFE];
	_ =	sdelay $0x1  }
0x8a: {  	s1 =	srdreg.scid  }
0x8b: {  	s0 =	sand.u32 $0x1, s1  }
0x8c: {  	s17 =	sshll.u32 s0, $0xA;
	s2 =	sadd.s32 s3, s2  }
0x8d: {  	s2 =	sadd.s32 s2, s17  }
0x8e: {  	[smem:$0x3FC4] =	sst s2  }
0x8f: {  	_ = 	snop  }
0x90: {  	s2 =	sld [smem:$0x3FC7]  }
0x91: {  	s18 =	sld [smem:$0x3FC6]  }
0x92: {  	s4 =	sld [smem:$0x3FD0];
	(tm) =	ssettm $0x1  }
0x93: {  	s5 =	sld [smem:$0x3FFB];
	_ =	sdelay $0x3  }
0x94: {  	_ =	strace s5  }
0x95: {  	s5 =	sld [smem:$0x3FFC];
	_ =	sdelay $0x3  }
0x96: {  	_ =	strace s5  }
0x97: {  	s5 =	sld [smem:$0x3FFD];
	_ =	sdelay $0x3  }
0x98: {  	_ =	strace s5  }
0x99: {  	_ =	strace $0x8FFFFFFF  }
0x9a: {  	s19 =	sld [smem:$0x3FDB];
	_ =	sdelay $0x1  }
0x9b: {  	s6 =	simm.s32 $_scs_section_size  }
0x9c: {  	s7 =	simm.s32 $_size__tile_overlayer_lowered;
	s8 =	simm.s32 $_tile_overlayer_lowered  }
0x9d: {  	s22 =	simm.s32 $0x1BFF;
	s21 =	sshll.u32 s8, $0x1;
	s5 =	sadd.s32 s6, s19  }
0x9e: {  	s9 =	simm.s32 $0x0;
	s20 =	sshll.u32 s7, $0x1;
	s7 =	sadd.s32 s21, s5  }
0x9f: {  	[timem:s9], [sflag:s22] =	dma.local [hbm:s7], s20  }
0xa0: {  	_ =	swait.ge [sflag:s22], s20  }
0xa1: {  	s6 =	ssub.s32 $0x0, s20;
	[sflag:s22] =	ssyncset.done $0x0  }
0xa2: {  	[sflag:s22] =	ssyncadd.s32 s6;
	_ =	sdelay $0x1  }
0xa3: {  	s23 =	simm.s32 $0x1B8B  }
0xa4: {  	_ =	swait.ge [sflag:s23], $0x1  }
0xa5: {  	[sflag:s23] =	ssyncset.done $0x0  }
0xa6: {  	s25 =	simm.s32 $0x1B8E;
	s24 =	sld [smem:$0x3FFE];
	[sflag:s23] =	ssyncadd.s32 $0xFFFFFFFF  }
0xa7: {  	s26 =	simm.s32 $execute0_lowered;
	[smem:$0x3FD2] =	sst s25  }
0xa8: {  	s7 =	sshll.u32 s26, $0x1;
	_ =	strace $0x80000046;
	[dreg:$0x1] =	wrdreg $0xFFFFFFFF  }
0xa9: {  	s28 =	simm.s32 $_size_execute0_lowered;
	s5 =	sadd.s32 s5, s7;
	[dreg:$0x0] =	wrdreg $0x0  }
0xaa: {  	s7 =	sshll.u32 s28, $0x1;
	[dreg:$0x2] =	wrdreg s5  }
0xab: {  	[dreg:$0x3] =	wrdreg s7  }
0xac: {  	[dreg:$0x4] =	wrdreg $0xC0  }
0xad: {  	_ =	task [dreg:s9], $0x5FFFF  }
0xae: {  	[dreg:$0x1] =	wrdreg $0xFFFFFFFF  }
0xaf: {  	[dreg:$0x0] =	wrdreg $0x60  }
0xb0: {  	[dreg:$0x2] =	wrdreg s2  }
0xb1: {  	[dreg:$0x3] =	wrdreg s18  }
0xb2: {  	[dreg:$0x4] =	wrdreg s24  }
0xb3: {  	[dreg:$0x5] =	wrdreg s4  }
0xb4: {  	[dreg:$0x6] =	wrdreg $0x158000  }
0xb5: {  	[dreg:$0x7] =	wrdreg $0x9  }
0xb6: {  	_ =	task.clear_ibuf [dreg:s9], $0x8FFFF;
	_ =	strace $0x90000046  }
0xb7: {  	s29 =	simm.s32 $0x9;
	_ =	strace $0x80000048  }
0xb8: {  	_ =	swait.ge [sflag:s29], $0x1  }
0xb9: {  	[sflag:s29] =	ssyncadd.s32 $0xFFFFFFFF  }
0xba: {  	_ =	strace $0x90000048  }
0xbb: {  	_ =	sfence  }
0xbc: {  	s30 =	sld [smem:$0x0];
	_ =	sdelay $0x2  }
0xbd: {  	s31 =	sshll.u32 s1, $0xD;
	s1 =	sshrl.u32 s1, $0x2  }
0xbe: {  	s3 =	sand.u32 $0x4000, s31;
	s1 =	sadd.s32 s1, s30  }
0xbf: {  	s0 =	sor.u32 s3, s0;
	s1 =	sshll.u32 s1, $0x11  }
0xc0: {  	s0 =	sor.u32 s1, s0  }
0xc1: {  	s0 =	sadd.s32 $0x8F2B, s0  }
0xc2: {  	[sflag:s0] =	ssyncadd.remote.s32 $0x1  }
0xc3: {  	_ =	sfence.sel $0xFFFF  }
0xc4: {  	[dreg:$0x0] =	wrdreg $0xFFFFFFFF;
	(pc) =	sbr.abs _section_cstart, $3  }
0xc5: {  	[dreg:$0x1] =	wrdreg $0xFFFFFFFF  }
0xc6: {  	_ =	task.clear_ibuf [dreg:s9], $0x2FFFF;
	_ =	strace $0x9FFFFFFF  }
0xc7: {  	(tm) =	ssettm $0x7FFFFFFF  }
tec
execute0_lowered:
.L_overlay_start_1:
0x0: {  	(tag) =	ssettag $0x1  }
0x1: {  	s0 =	srdreg.scid;
	s2 =	rddreg [dreg:$0x2]  }
0x2: {  	s5 =	stileid.u32;
	s29 =	rddreg [dreg:$0x4]  }
0x3: {  	s30 =	simm.s32 $0x0;
	s3 =	sand.u32 $0x1, s0;
	s12 =	sshll.u32 s5, $0x1  }
0x4: {  	s0 =	rddreg [dreg:$0x3];
	p0 =	sne.s32 s5, $0x0;
	s1 =	sor.u32 s3, s12  }
0x5: {  	p1 =	sgt.u32 s5, $0x3;
	s7 =	ssub.s32 $0x2, s3;
	s4 =	sshll.u32 s1, $0x9  }
0x6: {  	s6 =	smul.u32 $0x19, s1;
	s13 =	sshll.u32 s1, $0x8;
	s14 =	sshrl.u32 s7, $0x1  }
0x7: {  	s8 =	sadd.s32 s4, s2;
	s9 =	sadd.s32 s13, s2;
	s4 =	ssub.s32 s7, s14  }
0x8: {  	s10 =	sadd.s32 $0x14, s6;
	s13 =	sadd.s32 $0x15, s6;
	s19 =	sadd.s32 $0x16, s6  }
0x9: {  	s14 =	sadd.s32 $0x17, s6;
	s6 =	sadd.s32 $0x18, s6;
	s15 =	sshrl.u32 s10, $0x4  }
0xa: {  	s12 =	sshrl.u32 s10, $0x3;
	s17 =	sshrl.u32 s13, $0x4;
	s18 =	sshrl.u32 s13, $0x3  }
0xb: {  	s10 =	sshll.u32 s10, $0xE;
	s21 =	sshrl.u32 s19, $0x4;
	s22 =	sshll.u32 s13, $0xE  }
0xc: {  	s23 =	sshrl.u32 s19, $0x3;
	s25 =	sshrl.u32 s14, $0x4;
	s26 =	sshrl.u32 s14, $0x3  }
0xd: {  	s28 =	sshrl.u32 s6, $0x4;
	s14 =	sshll.u32 s14, $0xE;
	s11 =	smul.u32 $0x3, s15  }
0xe: {  	s6 =	sshrl.u32 s6, $0x3;
	s16 =	sand.u32 $0x1, s12;
	s7 =	smul.u32 $0x3, s17  }
0xf: {  	s10 =	sand.u32 $0x1C000, s10;
	s13 =	sand.u32 $0x1, s23;
	s15 =	smul.u32 $0x3, s28  }
0x10: {  	s12 =	sshll.u32 s19, $0xE;
	s31 =	sand.u32 $0x1C000, s14;
	s17 =	smul.u32 $0xC, s1  }
0x11: {  	s12 =	sand.u32 $0x1C000, s12;
	s2 =	sadd.s32 s16, s11;
	s11 =	sand.u32 $0x1, s18  }
0x12: {  	s16 =	sshll.u32 s1, $0xE;
	s18 =	sadd.s32 $0x8, s17;
	s1 =	sshll.u32 s1, $0xB  }
0x13: {  	s2 =	sshll.u32 s2, $0x11;
	s7 =	sadd.s32 s11, s7;
	s11 =	sand.u32 $0x1C000, s22  }
0x14: {  	s22 =	sadd.s32 $0xA, s17;
	s20 =	sshll.u32 s7, $0x11;
	s7 =	smul.u32 $0x3, s21  }
0x15: {  	s1 =	sadd.s32 s1, s0;
	s10 =	sor.u32 s10, s2;
	s11 =	sor.u32 s11, s20  }
0x16: {  	s20 =	sadd.s32 $0x9, s17;
	s24 =	sadd.s32 s13, s7;
	s7 =	smul.u32 $0x3, s25  }
0x17: {  	s13 =	sand.u32 $0x1, s26;
	s21 =	sshrl.u32 s20, $0x3;
	s26 =	sadd.s32 $0x4, s17  }
0x18: {  	s25 =	sshrl.u32 s17, $0x3;
	s2 =	sshll.u32 s24, $0x11;
	s28 =	sshrl.u32 s26, $0x3  }
0x19: {  	s7 =	sadd.s32 s13, s7;
	s14 =	sor.u32 s12, s2;
	s12 =	sand.u32 $0x1, s6  }
0x1a: {  	s6 =	sand.u32 $0x1C000, s16;
	s16 =	sshll.u32 s3, $0xD;
	s7 =	sshll.u32 s7, $0x11  }
0x1b: {  	s2 =	sadd.s32 s12, s15;
	s12 =	sadd.s32 $0x8000, s0;
	s13 =	sor.u32 s31, s7  }
0x1c: {  	s2 =	sshll.u32 s2, $0x11;
	s7 =	sshrl.u32 s18, $0x3;
	s31 =	smul.u32 $0xC00, s28  }
0x1d: {  	s19 =	sadd.s32 s16, s12;
	s18 =	sshrl.u32 s22, $0x3;
	s7 =	smul.u32 $0xC000, s7  }
0x1e: {  	s15 =	sor.u32 s6, s2;
	s6 =	sshll.u32 s20, $0x7;
	s18 =	smul.u32 $0xC00, s18  }
0x1f: {  	s2 =	sadd.s32 s7, s19;
	s7 =	sshll.u32 s22, $0x7;
	s19 =	sadd.s32 $0xB, s17  }
0x20: {  	[dreg:$0x6] =	wrdreg s2;
	s2 =	smul.u32 $0xC00, s21;
	s20 =	sshrl.u32 s19, $0x3  }
0x21: {  	s6 =	sand.u32 $0x280, s6;
	s7 =	sand.u32 $0x300, s7;
	s23 =	smul.u32 $0xC00, s20  }
0x22: {  	s24 =	sshll.u32 s19, $0x7;
	s18 =	sor.u32 s7, s18;
	s7 =	smul.u32 $0xC000, s25  }
0x23: {  	s25 =	sadd.s32 $0x6, s17;
	s21 =	sor.u32 s6, s2;
	s6 =	sand.u32 $0x380, s24  }
0x24: {  	s20 =	sshll.u32 s26, $0x7;
	s28 =	sshrl.u32 s25, $0x3;
	s22 =	sor.u32 s6, s23  }
0x25: {  	s16 =	sor.u32 s7, s16;
	s6 =	sand.u32 $0x200, s20;
	s23 =	sadd.s32 $0x5, s17  }
0x26: {  	s24 =	sshrl.u32 s23, $0x3;
	s7 =	sshll.u32 s23, $0x7;
	s23 =	smul.u32 $0xC00, s28  }
0x27: {  	s1 =	sadd.s32 $0x248000, s1;
	s19 =	sor.u32 s6, s31;
	s31 =	smul.u32 $0x19, s3  }
0x28: {  	s2 =	simm.s32 $0x0;
	s6 =	sshll.u32 s25, $0x7;
	s25 =	smul.u32 $0x64000, s3  }
0x29: {  	s10 =	sshrl.u32 s10, $0x3;
	[smem:$0x7FF] =	sst s2;
	s28 =	smul.u32 $0xC8000, s5  }
0x2a: {  	s17 =	sadd.s32 $0x7, s17;
	s3 =	rddreg [dreg:$0x0];
	s26 =	smul.u32 $0xC00, s24  }
0x2b: {  	s24 =	sshrl.u32 s17, $0x3;
	s7 =	sand.u32 $0x280, s7;
	s17 =	sshll.u32 s17, $0x7  }
0x2c: {  	s6 =	sand.u32 $0x300, s6;
	s24 =	smul.u32 $0xC00, s24;
	s17 =	sand.u32 $0x380, s17  }
0x2d: {  	s23 =	sor.u32 s6, s23;
	s6 =	sshrl.u32 s15, $0x3;
	s20 =	sor.u32 s7, s26  }
0x2e: {  	s26 =	smul.u32 $0x32, s5;
	s7 =	sadd.s32 $0x4400, s9;
	s9 =	sadd.s32 $0x400, s8  }
0x2f: {  	s5 =	sadd.s32 s0, s10;
	s10 =	sshll.u32 s18, $0x4;
	s15 =	sshll.u32 s23, $0x4  }
0x30: {  	s17 =	sor.u32 s17, s24;
	s24 =	sadd.s32 s31, s26;
	s31 =	sadd.s32 s25, s28  }
0x31: {  	s8 =	simm.s32 $0x8000;
	s18 =	sadd.s32 s15, s12;
	[dreg:$0x7] =	wrdreg s31  }
0x32: {  	s15 =	simm.s32 $0x5;
	_ =	strace $0x80000047;
	[dreg:$0x8] =	wrdreg s7  }
0x33: {  	s25 =	sshrl.u32 s11, $0x3;
	s26 =	sshrl.u32 s14, $0x3;
	[dreg:$0x9] =	wrdreg s9  }
0x34: {  	s11 =	sshll.u32 s22, $0x4;
	s28 =	sadd.s32 s0, s26;
	[dreg:$0xa] =	wrdreg s5  }
0x35: {  	s14 =	sshll.u32 s20, $0x4;
	s20 =	sadd.s32 s16, s12;
	[dreg:$0xc] =	wrdreg s28  }
0x36: {  	s22 =	smax.u32 s4, $0x1;
	s4 =	simm.s32 $0x80;
	[dreg:$0x14] =	wrdreg s18  }
0x37: {  	s31 =	sshrl.u32 s13, $0x3;
	s13 =	sshll.u32 s19, $0x4;
	[dreg:$0x16] =	wrdreg s1  }
0x38: {  	s19 =	sshll.u32 s17, $0x4;
	s26 =	sadd.s32 $0x1000, s20;
	[dreg:$0x17] =	wrdreg s22  }
0x39: {  	s17 =	simm.s32 $0x7;
	s5 =	sadd.s32 s0, s25;
	[dreg:$0x1a] =	wrdreg s26  }
0x3a: {  	s7 =	sshll.u32 s21, $0x4;
	s25 =	sadd.s32 $0x800, s20;
	[dreg:$0xb] =	wrdreg s5  }
0x3b: {  	s21 =	sadd.s32 s0, s16;
	s28 =	sadd.s32 $0x1800, s20;
	[dreg:$0x19] =	wrdreg s25  }
0x3c: {  	s1 =	simm.s32 $0x4000;
	s5 =	sadd.s32 s0, s31;
	[dreg:$0x1b] =	wrdreg s28  }
0x3d: {  	s16 =	simm.s32 $0x6;
	s9 =	sadd.s32 s7, s12;
	[dreg:$0xd] =	wrdreg s5  }
0x3e: {  	s18 =	simm.s32 $0x8;
	s23 =	sadd.s32 $0x8000, s21;
	[dreg:$0xf] =	wrdreg s9  }
0x3f: {  	s20 =	simm.s32 $0xA;
	s31 =	sadd.s32 $0x4, s24;
	[dreg:$0x18] =	wrdreg s23  }
0x40: {  	s21 =	simm.s32 $0x15000;
	s5 =	sadd.s32 s0, s6;
	[dreg:$0x1c] =	wrdreg s31  }
0x41: {  	s9 =	simm.s32 $0xC000;
	[dreg:$0xe] =	wrdreg s5;
	s5 =	sadd.s32 s10, s12  }
0x42: {  	s10 =	simm.s32 $0x10000;
	[dreg:$0x10] =	wrdreg s5;
	s5 =	sadd.s32 s11, s12  }
0x43: {  	s11 =	simm.s32 $0x1;
	[dreg:$0x11] =	wrdreg s5;
	s5 =	sadd.s32 s13, s12  }
0x44: {  	s13 =	simm.s32 $0x3;
	[dreg:$0x12] =	wrdreg s5;
	s5 =	sadd.s32 s14, s12  }
0x45: {  	s14 =	simm.s32 $0x4;
	[dreg:$0x13] =	wrdreg s5;
	s5 =	sadd.s32 s19, s12  }
0x46: {  	s12 =	simm.s32 $0x2;
	s19 =	simm.s32 $0x9;
	[dreg:$0x15] =	wrdreg s5  }
.LBB2_1:
0x47: {  	s5 =	sshrl.u32 @!p0 s29, $0x3;
	s22 =	simm.s32 @!p0 $0x1C0B;
	s6 =	rddreg [dreg:$0x1]  }
0x48: {  	[spmem:s5], [sflag:s22] =	dma.local @!p0 [hbm:s6], $0x3E80  }
0x49: {  	s5 =	rddreg [dreg:$0x8]  }
0x4a: {  	[tilespmem:s21], [sflag:$0xC] =	stream.linear.gather [hbm4b:s5+s2], $0x680, $0x38;
	[tilespmem:$0x17740] =	vst v63  }
0x4b: {  	s26 =	simm.s32 $0x14000;
	s29 =	simm.s32 $0xD;
	s25 =	rddreg [dreg:$0x9]  }
0x4c: {  	[tilespmem:s26], [sflag:$0xD] =	stream.linear.gather [hbm4b:s25+s2], $0xC80, $0x38;
	[tilespmem:$0x17740] =	vst v63  }
0x4d: {  	_ =	swait.ge [sflag:s29], $0xC80  }
0x4e: {  	[sflag:s29] =	ssyncset.done $0x0  }
0x4f: {  	[sflag:s29] =	ssyncadd.s32 $0xFFFFF380  }
0x50: {  	[tilespmem:s2], [sflag:$0x1] =	stream.indirect.gather [hbm4b:s3+s4], $0x80, s26, s4, $0xb8;
	[tilespmem:$0x17740] =	vst v63  }
0x51: {  	s7 =	simm.s32 $0x14080  }
0x52: {  	[tilespmem:s1], [sflag:$0x2] =	stream.indirect.gather [hbm4b:s3+s4], $0x80, s7, s4, $0xb8;
	[tilespmem:$0x17740] =	vst v63  }
0x53: {  	s23 =	simm.s32 $0x14200;
	s22 =	simm.s32 $0x14180;
	s7 =	rddreg [dreg:$0x1c]  }
0x54: {  	s21 =	simm.s32 $0x14100;
	s6 =	rddreg [dreg:$0x7];
	s24 =	sadd.s32 $0xFFFFFFFC, s7  }
0x55: {  	[tilespmem:s8], [sflag:$0x3] =	stream.indirect.gather [hbm4b:s3+s4], $0x80, s21, s4, $0xb8;
	[tilespmem:$0x17740] =	vst v63  }
0x56: {  	s25 =	sshrl.u32 s24, $0x4;
	s5 =	sshrl.u32 s24, $0x3;
	s21 =	sand.u32 $0x1C000, s6  }
0x57: {  	[tilespmem:s9], [sflag:$0x4] =	stream.indirect.gather [hbm4b:s3+s4], $0x80, s22, s4, $0xb8;
	[tilespmem:$0x17740] =	vst v63  }
0x58: {  	s5 =	sand.u32 $0x1, s5;
	s22 =	smul.u32 $0x3, s25;
	s25 =	sadd.s32 $0x4000, s6  }
0x59: {  	[tilespmem:s10], [sflag:$0x5] =	stream.indirect.gather [hbm4b:s3+s4], $0x80, s23, s4, $0xb8;
	[tilespmem:$0x17740] =	vst v63  }
0x5a: {  	s25 =	sand.u32 $0x1C000, s25;
	s23 =	sadd.s32 $0xFFFFFFFD, s7;
	s5 =	sadd.s32 s5, s22  }
0x5b: {  	s24 =	sshrl.u32 s23, $0x4;
	s26 =	sshrl.u32 s23, $0x3;
	s5 =	sshll.u32 s5, $0x11  }
0x5c: {  	_ =	swait.ge [sflag:s11], $0x4000;
	s29 =	smul.u32 $0x3, s24;
	s22 =	sand.u32 $0x1, s26  }
0x5d: {  	s5 =	sor.u32 s21, s5;
	s26 =	sadd.s32 $0xFFFFFFFE, s7;
	[sflag:s11] =	ssyncset.done $0x0  }
0x5e: {  	s21 =	sadd.s32 $0xFFFFFFFF, s7;
	s5 =	sshrl.u32 s5, $0x3;
	s23 =	sshrl.u32 s26, $0x3  }
0x5f: {  	[sflag:s11] =	ssyncadd.s32 $0xFFFFC000;
	s22 =	sadd.s32 s22, s29;
	s5 =	sadd.s32 s0, s5  }
0x60: {  	s29 =	sshrl.u32 s26, $0x4;
	s23 =	sand.u32 $0x1, s23;
	s26 =	sshrl.u32 s21, $0x4  }
0x61: {  	[hbm4b:s5+s2] =	stream.linear.scatter [tilespmem:s2], [sflag:$0x6], $0x4000, $0x38;
	[tilespmem:$0x17740] =	vst v63  }
0x62: {  	s22 =	sshll.u32 s22, $0x11;
	s24 =	smul.u32 $0x3, s29;
	s5 =	sshrl.u32 s21, $0x3  }
0x63: {  	s29 =	smul.u32 $0x3, s26;
	s21 =	sadd.s32 $0xC000, s6;
	s26 =	sshrl.u32 s7, $0x4  }
0x64: {  	s22 =	sor.u32 s25, s22;
	_ =	swait.ge [sflag:s12], $0x4000;
	s25 =	sadd.s32 $0x8000, s6  }
0x65: {  	s5 =	sand.u32 $0x1, s5;
	s22 =	sshrl.u32 s22, $0x3;
	s23 =	sadd.s32 s23, s24  }
0x66: {  	[sflag:s12] =	ssyncset.done $0x0;
	s24 =	sand.u32 $0x1C000, s25;
	s5 =	sadd.s32 s5, s29  }
0x67: {  	s25 =	sand.u32 $0x1C000, s21;
	s29 =	sshrl.u32 s7, $0x3;
	s21 =	sadd.s32 $0x10000, s6  }
0x68: {  	s23 =	sshll.u32 s23, $0x11;
	[sflag:s12] =	ssyncadd.s32 $0xFFFFC000;
	s22 =	sadd.s32 s0, s22  }
0x69: {  	[hbm4b:s22+s2] =	stream.linear.scatter [tilespmem:s1], [sflag:$0x7], $0x4000, $0x38;
	[tilespmem:$0x17740] =	vst v63  }
0x6a: {  	s5 =	sshll.u32 s5, $0x11;
	s23 =	sor.u32 s24, s23;
	_ =	swait.ge [sflag:s13], $0x4000  }
0x6b: {  	s5 =	sor.u32 s25, s5;
	s23 =	sshrl.u32 s23, $0x3;
	[sflag:s13] =	ssyncset.done $0x0  }
0x6c: {  	s22 =	smul.u32 $0x3, s26;
	s23 =	sadd.s32 s0, s23;
	[sflag:s13] =	ssyncadd.s32 $0xFFFFC000  }
0x6d: {  	[hbm4b:s23+s2] =	stream.linear.scatter [tilespmem:s8], [sflag:$0x8], $0x4000, $0x38;
	[tilespmem:$0x17740] =	vst v63  }
0x6e: {  	s26 =	sand.u32 $0x1C000, s21;
	s23 =	sand.u32 $0x1, s29;
	_ =	swait.ge [sflag:s14], $0x4000  }
0x6f: {  	s5 =	sshrl.u32 s5, $0x3;
	s22 =	sadd.s32 s23, s22;
	[sflag:s14] =	ssyncset.done $0x0  }
0x70: {  	s5 =	sadd.s32 s0, s5;
	s25 =	sshll.u32 s22, $0x11;
	[sflag:s14] =	ssyncadd.s32 $0xFFFFC000  }
0x71: {  	[hbm4b:s5+s2] =	stream.linear.scatter [tilespmem:s9], [sflag:$0x9], $0x4000, $0x38;
	[tilespmem:$0x17740] =	vst v63  }
0x72: {  	s5 =	sor.u32 s26, s25;
	_ =	swait.ge [sflag:s15], $0x4000  }
0x73: {  	s31 =	simm.s32 $0xA00;
	s5 =	sshrl.u32 s5, $0x3;
	[sflag:s15] =	ssyncset.done $0x0  }
0x74: {  	s24 =	simm.s32 $0x1400;
	s5 =	sadd.s32 s0, s5;
	[sflag:s15] =	ssyncadd.s32 $0xFFFFC000  }
0x75: {  	[hbm4b:s5+s2] =	stream.linear.scatter [tilespmem:s10], [sflag:$0xA], $0x4000, $0x38;
	[tilespmem:$0x17740] =	vst v63  }
0x76: {  	s29 =	simm.s32 $0x14280;
	s22 =	sadd.s32 $0x5, s7;
	_ =	swait.ge [sflag:s16], $0x4000  }
0x77: {  	s23 =	sadd.s32 $0x14000, s6;
	s28 =	sadd.s32 $0xFFFFFFFC, s22;
	[sflag:s16] =	ssyncset.done $0x0  }
0x78: {  	s26 =	simm.s32 $0x0;
	s5 =	sshrl.u32 s28, $0x4;
	[sflag:s16] =	ssyncadd.s32 $0xFFFFC000  }
0x79: {  	[tilespmem:s2], [sflag:$0x1] =	stream.indirect.gather [hbm4b:s3+s4], $0x80, s29, s4, $0xb8;
	[tilespmem:$0x17740] =	vst v63  }
.LBB2_2:
0x7a: {  	_ =	swait.ge [sflag:s17], $0x4000;
	s21 =	sadd.s32 $0x14300, s26  }
0x7b: {  	s7 =	sadd.s32 $0x14400, s26;
	s25 =	smov.u32 s31;
	s31 =	smov.u32 s24  }
0x7c: {  	s5 =	smul.u32 $0x3, s5;
	s28 =	sshrl.u32 s28, $0x3;
	[sflag:s17] =	ssyncset.done $0x0  }
0x7d: {  	s6 =	sadd.s32 $0x14380, s26;
	s28 =	sand.u32 $0x1, s28;
	[sflag:s17] =	ssyncadd.s32 $0xFFFFC000  }
0x7e: {  	[tilespmem:s1], [sflag:$0x2] =	stream.indirect.gather [hbm4b:s3+s4], $0x80, s21, s4, $0xb8;
	[tilespmem:$0x17740] =	vst v63  }
0x7f: {  	s5 =	sadd.s32 s28, s5;
	s21 =	sadd.s32 $0xFFFFFFFD, s22;
	_ =	swait.ge [sflag:s18], $0x4000  }
0x80: {  	s28 =	sand.u32 $0x1C000, s23;
	s5 =	sshll.u32 s5, $0x11;
	[sflag:s18] =	ssyncset.done $0x0  }
0x81: {  	s29 =	sshrl.u32 s21, $0x4;
	s21 =	sshrl.u32 s21, $0x3;
	[sflag:s18] =	ssyncadd.s32 $0xFFFFC000  }
0x82: {  	[tilespmem:s8], [sflag:$0x3] =	stream.indirect.gather [hbm4b:s3+s4], $0x80, s6, s4, $0xb8;
	[tilespmem:$0x17740] =	vst v63  }
0x83: {  	s21 =	sand.u32 $0x1, s21;
	s6 =	smul.u32 $0x3, s29;
	_ =	swait.ge [sflag:s19], $0x4000  }
0x84: {  	s5 =	sor.u32 s28, s5;
	s28 =	sadd.s32 $0x4000, s23;
	[sflag:s19] =	ssyncset.done $0x0  }
0x85: {  	s5 =	sshrl.u32 s5, $0x3;
	s6 =	sadd.s32 s21, s6;
	[sflag:s19] =	ssyncadd.s32 $0xFFFFC000  }
0x86: {  	[tilespmem:s9], [sflag:$0x4] =	stream.indirect.gather [hbm4b:s3+s4], $0x80, s7, s4, $0xb8;
	[tilespmem:$0x17740] =	vst v63  }
0x87: {  	s6 =	sshll.u32 s6, $0x11;
	s7 =	sand.u32 $0x1C000, s28;
	_ =	swait.ge [sflag:s20], $0x4000  }
0x88: {  	s6 =	sor.u32 s7, s6;
	s7 =	sadd.s32 $0x14480, s26;
	[sflag:s20] =	ssyncset.done $0x0  }
0x89: {  	s21 =	sadd.s32 $0xFFFFFFFF, s22;
	s6 =	sshrl.u32 s6, $0x3;
	[sflag:s20] =	ssyncadd.s32 $0xFFFFC000  }
0x8a: {  	[tilespmem:s10], [sflag:$0x5] =	stream.indirect.gather [hbm4b:s3+s4], $0x80, s7, s4, $0xb8;
	[tilespmem:$0x17740] =	vst v63  }
0x8b: {  	s5 =	sadd.s32 s0, s5;
	s7 =	sadd.s32 $0xFFFFFFFE, s22;
	_ =	swait.ge [sflag:s11], $0x4000  }
0x8c: {  	s26 =	sshrl.u32 s7, $0x4;
	s7 =	sshrl.u32 s7, $0x3;
	[sflag:s11] =	ssyncset.done $0x0  }
0x8d: {  	s26 =	smul.u32 $0x3, s26;
	s7 =	sand.u32 $0x1, s7;
	[sflag:s11] =	ssyncadd.s32 $0xFFFFC000  }
0x8e: {  	[hbm4b:s5+s2] =	stream.linear.scatter [tilespmem:s2], [sflag:$0x6], $0x4000, $0x38;
	[tilespmem:$0x17740] =	vst v63  }
0x8f: {  	s5 =	sadd.s32 s7, s26;
	s7 =	sadd.s32 $0x8000, s23;
	_ =	swait.ge [sflag:s12], $0x4000  }
0x90: {  	s5 =	sshll.u32 s5, $0x11;
	s7 =	sand.u32 $0x1C000, s7;
	[sflag:s12] =	ssyncset.done $0x0  }
0x91: {  	s5 =	sor.u32 s7, s5;
	s7 =	sshrl.u32 s21, $0x4;
	s21 =	sshrl.u32 s21, $0x3  }
0x92: {  	s5 =	sshrl.u32 s5, $0x3;
	s7 =	smul.u32 $0x3, s7;
	s21 =	sand.u32 $0x1, s21  }
0x93: {  	p2 =	sne.s32 s24, $0x1E00;
	s26 =	sadd.s32 $0xC000, s23;
	[sflag:s12] =	ssyncadd.s32 $0xFFFFC000  }
0x94: {  	s6 =	sadd.s32 s0, s6;
	s5 =	sadd.s32 s0, s5;
	s7 =	sadd.s32 s21, s7  }
0x95: {  	[hbm4b:s6+s2] =	stream.linear.scatter [tilespmem:s1], [sflag:$0x7], $0x4000, $0x38;
	[tilespmem:$0x17740] =	vst v63  }
0x96: {  	s6 =	sshll.u32 s7, $0x11;
	s7 =	sand.u32 $0x1C000, s26;
	_ =	swait.ge [sflag:s13], $0x4000  }
0x97: {  	s24 =	sadd.s32 $0xA00, s24;
	s6 =	sor.u32 s7, s6;
	[sflag:s13] =	ssyncset.done $0x0  }
0x98: {  	s7 =	sshrl.u32 s22, $0x4;
	s6 =	sshrl.u32 s6, $0x3;
	[sflag:s13] =	ssyncadd.s32 $0xFFFFC000  }
0x99: {  	[hbm4b:s5+s2] =	stream.linear.scatter [tilespmem:s8], [sflag:$0x8], $0x4000, $0x38;
	[tilespmem:$0x17740] =	vst v63  }
0x9a: {  	s5 =	smul.u32 $0x3, s7;
	s7 =	sshrl.u32 s22, $0x3;
	_ =	swait.ge [sflag:s14], $0x4000  }
0x9b: {  	s21 =	sadd.s32 $0x10000, s23;
	s7 =	sand.u32 $0x1, s7;
	[sflag:s14] =	ssyncset.done $0x0  }
0x9c: {  	s6 =	sadd.s32 s0, s6;
	s5 =	sadd.s32 s7, s5;
	[sflag:s14] =	ssyncadd.s32 $0xFFFFC000  }
0x9d: {  	[hbm4b:s6+s2] =	stream.linear.scatter [tilespmem:s9], [sflag:$0x9], $0x4000, $0x38;
	[tilespmem:$0x17740] =	vst v63  }
0x9e: {  	s5 =	sshll.u32 s5, $0x11;
	s6 =	sand.u32 $0x1C000, s21;
	_ =	swait.ge [sflag:s15], $0x4000  }
0x9f: {  	s5 =	sor.u32 s6, s5;
	[sflag:s15] =	ssyncset.done $0x0  }
0xa0: {  	s5 =	sshrl.u32 s5, $0x3;
	[sflag:s15] =	ssyncadd.s32 $0xFFFFC000  }
0xa1: {  	s5 =	sadd.s32 s0, s5  }
0xa2: {  	[hbm4b:s5+s2] =	stream.linear.scatter [tilespmem:s10], [sflag:$0xA], $0x4000, $0x38;
	[tilespmem:$0x17740] =	vst v63  }
.Ltmp0:
0xa3: {  	_ = 	snop;
	(pc) =	sbr.rel @p2 .LBB2_2-.Ltmp0, $4  }
0xa4: {  	s23 =	sadd.s32 $0x14000, s23;
	s22 =	sadd.s32 $0x5, s22;
	_ =	swait.ge [sflag:s16], $0x4000  }
0xa5: {  	s26 =	sshra.s32 s25, $0x2;
	s28 =	sadd.s32 $0xFFFFFFFC, s22;
	[sflag:s16] =	ssyncset.done $0x0  }
0xa6: {  	s6 =	sadd.s32 $0x14280, s26;
	s5 =	sshrl.u32 s28, $0x4;
	[sflag:s16] =	ssyncadd.s32 $0xFFFFC000  }
0xa7: {  	[tilespmem:s2], [sflag:$0x1] =	stream.indirect.gather [hbm4b:s3+s4], $0x80, s6, s4, $0xb8;
	[tilespmem:$0x17740] =	vst v63  }
0xa8: {  	_ =	swait.ge [sflag:s17], $0x4000  }
0xa9: {  	[sflag:s17] =	ssyncset.done $0x0  }
0xaa: {  	s6 =	sadd.s32 $0x14300, s26;
	[sflag:s17] =	ssyncadd.s32 $0xFFFFC000  }
0xab: {  	[tilespmem:s1], [sflag:$0x2] =	stream.indirect.gather [hbm4b:s3+s4], $0x80, s6, s4, $0xb8;
	[tilespmem:$0x17740] =	vst v63  }
0xac: {  	_ =	swait.ge [sflag:s18], $0x4000  }
0xad: {  	[sflag:s18] =	ssyncset.done $0x0  }
0xae: {  	s24 =	sadd.s32 $0x14380, s26;
	[sflag:s18] =	ssyncadd.s32 $0xFFFFC000  }
0xaf: {  	[tilespmem:s8], [sflag:$0x3] =	stream.indirect.gather [hbm4b:s3+s4], $0x80, s24, s4, $0xb8;
	[tilespmem:$0x17740] =	vst v63  }
0xb0: {  	_ =	swait.ge [sflag:s19], $0x4000  }
0xb1: {  	s25 =	sadd.s32 $0x14400, s26;
	[sflag:s19] =	ssyncset.done $0x0  }
0xb2: {  	s5 =	smul.u32 $0x3, s5;
	s7 =	sshrl.u32 s28, $0x3;
	[sflag:s19] =	ssyncadd.s32 $0xFFFFC000  }
0xb3: {  	[tilespmem:s9], [sflag:$0x4] =	stream.indirect.gather [hbm4b:s3+s4], $0x80, s25, s4, $0xb8;
	[tilespmem:$0x17740] =	vst v63  }
0xb4: {  	s6 =	sand.u32 $0x1, s7;
	_ =	swait.ge [sflag:s20], $0x4000  }
0xb5: {  	s21 =	sadd.s32 $0x14480, s26;
	s5 =	sadd.s32 s6, s5;
	[sflag:s20] =	ssyncset.done $0x0  }
0xb6: {  	s5 =	sshll.u32 s5, $0x11;
	s24 =	sand.u32 $0x1C000, s23;
	[sflag:s20] =	ssyncadd.s32 $0xFFFFC000  }
0xb7: {  	[tilespmem:s10], [sflag:$0x5] =	stream.indirect.gather [hbm4b:s3+s4], $0x80, s21, s4, $0xb8;
	[tilespmem:$0x17740] =	vst v63  }
0xb8: {  	s5 =	sor.u32 s24, s5;
	_ =	swait.ge [sflag:s11], $0x4000  }
0xb9: {  	s5 =	sshrl.u32 s5, $0x3;
	s25 =	sadd.s32 $0xFFFFFFFD, s22;
	[sflag:s11] =	ssyncset.done $0x0  }
0xba: {  	s5 =	sadd.s32 s0, s5;
	s26 =	sshrl.u32 s25, $0x4;
	[sflag:s11] =	ssyncadd.s32 $0xFFFFC000  }
0xbb: {  	[hbm4b:s5+s2] =	stream.linear.scatter [tilespmem:s2], [sflag:$0x6], $0x4000, $0x38;
	[tilespmem:$0x17740] =	vst v63  }
0xbc: {  	s6 =	sshrl.u32 s25, $0x3;
	s5 =	smul.u32 $0x3, s26  }
0xbd: {  	s6 =	sand.u32 $0x1, s6  }
0xbe: {  	s28 =	sadd.s32 $0x4000, s23;
	s5 =	sadd.s32 s6, s5  }
0xbf: {  	s6 =	sand.u32 $0x1C000, s28;
	s5 =	sshll.u32 s5, $0x11  }
0xc0: {  	_ =	swait.ge [sflag:s12], $0x4000;
	s5 =	sor.u32 s6, s5  }
0xc1: {  	s7 =	sadd.s32 $0xFFFFFFFE, s22;
	[sflag:s12] =	ssyncset.done $0x0;
	s5 =	sshrl.u32 s5, $0x3  }
0xc2: {  	s21 =	sshrl.u32 s7, $0x4;
	[sflag:s12] =	ssyncadd.s32 $0xFFFFC000;
	s5 =	sadd.s32 s0, s5  }
0xc3: {  	[hbm4b:s5+s2] =	stream.linear.scatter [tilespmem:s1], [sflag:$0x7], $0x4000, $0x38;
	[tilespmem:$0x17740] =	vst v63  }
0xc4: {  	s6 =	sshrl.u32 s7, $0x3;
	s5 =	smul.u32 $0x3, s21  }
0xc5: {  	s6 =	sand.u32 $0x1, s6  }
0xc6: {  	s24 =	sadd.s32 $0x8000, s23;
	s5 =	sadd.s32 s6, s5  }
0xc7: {  	s6 =	sand.u32 $0x1C000, s24;
	s5 =	sshll.u32 s5, $0x11  }
0xc8: {  	_ =	swait.ge [sflag:s13], $0x4000;
	s5 =	sor.u32 s6, s5  }
0xc9: {  	s25 =	sadd.s32 $0xFFFFFFFF, s22;
	[sflag:s13] =	ssyncset.done $0x0;
	s5 =	sshrl.u32 s5, $0x3  }
0xca: {  	s26 =	sshrl.u32 s25, $0x4;
	[sflag:s13] =	ssyncadd.s32 $0xFFFFC000;
	s5 =	sadd.s32 s0, s5  }
0xcb: {  	[hbm4b:s5+s2] =	stream.linear.scatter [tilespmem:s8], [sflag:$0x8], $0x4000, $0x38;
	[tilespmem:$0x17740] =	vst v63  }
0xcc: {  	s6 =	sshrl.u32 s25, $0x3;
	s5 =	smul.u32 $0x3, s26  }
0xcd: {  	s6 =	sand.u32 $0x1, s6  }
0xce: {  	s28 =	sadd.s32 $0xC000, s23;
	s5 =	sadd.s32 s6, s5  }
0xcf: {  	s6 =	sand.u32 $0x1C000, s28;
	s5 =	sshll.u32 s5, $0x11  }
0xd0: {  	_ =	swait.ge [sflag:s14], $0x4000;
	s5 =	sor.u32 s6, s5  }
0xd1: {  	[sflag:s14] =	ssyncset.done $0x0;
	s5 =	sshrl.u32 s5, $0x3  }
0xd2: {  	[sflag:s14] =	ssyncadd.s32 $0xFFFFC000;
	s6 =	sshrl.u32 s22, $0x4;
	s5 =	sadd.s32 s0, s5  }
0xd3: {  	[hbm4b:s5+s2] =	stream.linear.scatter [tilespmem:s9], [sflag:$0x9], $0x4000, $0x38;
	[tilespmem:$0x17740] =	vst v63  }
0xd4: {  	s7 =	sshrl.u32 s22, $0x3;
	s5 =	smul.u32 $0x3, s6  }
0xd5: {  	s6 =	sand.u32 $0x1, s7  }
0xd6: {  	s21 =	sadd.s32 $0x10000, s23;
	s5 =	sadd.s32 s6, s5  }
0xd7: {  	s6 =	sand.u32 $0x1C000, s21;
	s5 =	sshll.u32 s5, $0x11  }
0xd8: {  	_ =	swait.ge [sflag:s15], $0x4000;
	s5 =	sor.u32 s6, s5  }
0xd9: {  	[sflag:s15] =	ssyncset.done $0x0;
	s5 =	sshrl.u32 s5, $0x3  }
0xda: {  	[sflag:s15] =	ssyncadd.s32 $0xFFFFC000;
	s5 =	sadd.s32 s0, s5  }
0xdb: {  	[hbm4b:s5+s2] =	stream.linear.scatter [tilespmem:s10], [sflag:$0xA], $0x4000, $0x38;
	[tilespmem:$0x17740] =	vst v63  }
0xdc: {  	_ =	swait.ge [sflag:s16], $0x4000  }
0xdd: {  	s22 =	sshra.s32 s31, $0x2;
	[sflag:s16] =	ssyncset.done $0x0  }
0xde: {  	s23 =	sadd.s32 $0x14280, s22;
	[sflag:s16] =	ssyncadd.s32 $0xFFFFC000  }
0xdf: {  	[tilespmem:s2], [sflag:$0x1] =	stream.indirect.gather [hbm4b:s3+s4], $0x80, s23, s4, $0xb8;
	[tilespmem:$0x17740] =	vst v63  }
0xe0: {  	_ =	swait.ge [sflag:s17], $0x4000  }
0xe1: {  	[sflag:s17] =	ssyncset.done $0x0  }
0xe2: {  	s24 =	sadd.s32 $0x14300, s22;
	[sflag:s17] =	ssyncadd.s32 $0xFFFFC000  }
0xe3: {  	[tilespmem:s1], [sflag:$0x2] =	stream.indirect.gather [hbm4b:s3+s4], $0x80, s24, s4, $0xb8;
	[tilespmem:$0x17740] =	vst v63  }
0xe4: {  	_ =	swait.ge [sflag:s18], $0x4000  }
0xe5: {  	[sflag:s18] =	ssyncset.done $0x0  }
0xe6: {  	s25 =	sadd.s32 $0x14380, s22;
	[sflag:s18] =	ssyncadd.s32 $0xFFFFC000  }
0xe7: {  	[tilespmem:s8], [sflag:$0x3] =	stream.indirect.gather [hbm4b:s3+s4], $0x80, s25, s4, $0xb8;
	[tilespmem:$0x17740] =	vst v63  }
0xe8: {  	_ =	swait.ge [sflag:s19], $0x4000  }
0xe9: {  	[sflag:s19] =	ssyncset.done $0x0  }
0xea: {  	s26 =	sadd.s32 $0x14400, s22;
	[sflag:s19] =	ssyncadd.s32 $0xFFFFC000  }
0xeb: {  	[tilespmem:s9], [sflag:$0x4] =	stream.indirect.gather [hbm4b:s3+s4], $0x80, s26, s4, $0xb8;
	[tilespmem:$0x17740] =	vst v63  }
0xec: {  	_ =	swait.ge [sflag:s20], $0x4000  }
0xed: {  	[sflag:s20] =	ssyncset.done $0x0  }
0xee: {  	s5 =	sadd.s32 $0x14480, s22;
	[sflag:s20] =	ssyncadd.s32 $0xFFFFC000  }
0xef: {  	[tilespmem:s10], [sflag:$0x5] =	stream.indirect.gather [hbm4b:s3+s4], $0x80, s5, s4, $0xb8;
	[tilespmem:$0x17740] =	vst v63  }
0xf0: {  	_ =	swait.ge [sflag:s11], $0x4000  }
0xf1: {  	[sflag:s11] =	ssyncset.done $0x0  }
0xf2: {  	s28 =	rddreg [dreg:$0xa];
	[sflag:s11] =	ssyncadd.s32 $0xFFFFC000  }
0xf3: {  	[hbm4b:s28+s2] =	stream.linear.scatter [tilespmem:s2], [sflag:$0x6], $0x4000, $0x38;
	[tilespmem:$0x17740] =	vst v63  }
0xf4: {  	_ =	swait.ge [sflag:s12], $0x4000  }
0xf5: {  	[sflag:s12] =	ssyncset.done $0x0  }
0xf6: {  	s31 =	rddreg [dreg:$0xb];
	[sflag:s12] =	ssyncadd.s32 $0xFFFFC000  }
0xf7: {  	[hbm4b:s31+s2] =	stream.linear.scatter [tilespmem:s1], [sflag:$0x7], $0x4000, $0x38;
	[tilespmem:$0x17740] =	vst v63  }
0xf8: {  	_ =	swait.ge [sflag:s13], $0x4000  }
0xf9: {  	[sflag:s13] =	ssyncset.done $0x0  }
0xfa: {  	s6 =	rddreg [dreg:$0xc];
	[sflag:s13] =	ssyncadd.s32 $0xFFFFC000  }
0xfb: {  	[hbm4b:s6+s2] =	stream.linear.scatter [tilespmem:s8], [sflag:$0x8], $0x4000, $0x38;
	[tilespmem:$0x17740] =	vst v63  }
0xfc: {  	_ =	swait.ge [sflag:s14], $0x4000  }
0xfd: {  	[sflag:s14] =	ssyncset.done $0x0  }
0xfe: {  	s7 =	rddreg [dreg:$0xd];
	[sflag:s14] =	ssyncadd.s32 $0xFFFFC000  }
0xff: {  	[hbm4b:s7+s2] =	stream.linear.scatter [tilespmem:s9], [sflag:$0x9], $0x4000, $0x38;
	[tilespmem:$0x17740] =	vst v63  }
0x100: {  	_ =	swait.ge [sflag:s15], $0x4000  }
0x101: {  	[sflag:s15] =	ssyncset.done $0x0  }
0x102: {  	s21 =	rddreg [dreg:$0xe];
	[sflag:s15] =	ssyncadd.s32 $0xFFFFC000  }
0x103: {  	[hbm4b:s21+s2] =	stream.linear.scatter [tilespmem:s10], [sflag:$0xA], $0x4000, $0x38;
	[tilespmem:$0x17740] =	vst v63  }
0x104: {  	_ =	swait.ge [sflag:s16], $0x4000  }
0x105: {  	[sflag:s16] =	ssyncset.done $0x0  }
0x106: {  	[sflag:s16] =	ssyncadd.s32 $0xFFFFC000  }
0x107: {  	_ =	swait.ge [sflag:s17], $0x4000  }
0x108: {  	[sflag:s17] =	ssyncset.done $0x0  }
0x109: {  	[sflag:s17] =	ssyncadd.s32 $0xFFFFC000  }
0x10a: {  	_ =	swait.ge [sflag:s18], $0x4000  }
0x10b: {  	[sflag:s18] =	ssyncset.done $0x0  }
0x10c: {  	[sflag:s18] =	ssyncadd.s32 $0xFFFFC000  }
0x10d: {  	_ =	swait.ge [sflag:s19], $0x4000  }
0x10e: {  	[sflag:s19] =	ssyncset.done $0x0  }
0x10f: {  	[sflag:s19] =	ssyncadd.s32 $0xFFFFC000  }
0x110: {  	_ =	swait.ge [sflag:s20], $0x4000  }
0x111: {  	[sflag:s20] =	ssyncset.done $0x0  }
0x112: {  	s22 =	simm.s32 $0xC;
	[sflag:s20] =	ssyncadd.s32 $0xFFFFC000  }
0x113: {  	_ =	swait.ge [sflag:s22], $0x680  }
0x114: {  	[sflag:s22] =	ssyncset.done $0x0  }
0x115: {  	s5 =	simm.s32 @!p0 $0xB;
	[sflag:s22] =	ssyncadd.s32 $0xFFFFF980  }
0x116: {  	_ =	swait.ge @!p0 [sflag:s5], $0x3E80  }
0x117: {  	[sflag:s5] =	ssyncset.done @!p0 $0x0  }
0x118: {  	[sflag:s5] =	ssyncadd.s32 @!p0 $0xFFFFC180  }
0x119: {  	[bflag:$0x0] =	sbarrier.arrive $0xFFFF  }
0x11a: {  	s21 =	simm.s32 $0x15000;
	s29 =	rddreg [dreg:$0x4]  }
0x11b: {  	[tilespmem:s2], [sflag:$0x1] =	stream.indirect.gather [spmem:s29], $0x80, s21, s4, $0xb8;
	[tilespmem:$0x17740] =	vst v63  }
0x11c: {  	s23 =	simm.s32 $0x15080  }
0x11d: {  	[tilespmem:s1], [sflag:$0x2] =	stream.indirect.gather [spmem:s29], $0x80, s23, s4, $0xb8;
	[tilespmem:$0x17740] =	vst v63  }
0x11e: {  	s24 =	simm.s32 $0x15100  }
0x11f: {  	[tilespmem:s8], [sflag:$0x3] =	stream.indirect.gather [spmem:s29], $0x80, s24, s4, $0xb8;
	[tilespmem:$0x17740] =	vst v63  }
0x120: {  	s25 =	simm.s32 $0x15180  }
0x121: {  	[tilespmem:s9], [sflag:$0x4] =	stream.indirect.gather [spmem:s29], $0x80, s25, s4, $0xb8;
	[tilespmem:$0x17740] =	vst v63  }
0x122: {  	_ =	swait.ge [sflag:s11], $0x4000  }
0x123: {  	[sflag:s11] =	ssyncset.done $0x0  }
0x124: {  	s26 =	rddreg [dreg:$0x18];
	[sflag:s11] =	ssyncadd.s32 $0xFFFFC000  }
0x125: {  	[hbm4b:s26+s2] =	stream.linear.scatter [tilespmem:s2], [sflag:$0x6], $0x4000, $0x38;
	[tilespmem:$0x17740] =	vst v63  }
0x126: {  	_ =	swait.ge [sflag:s12], $0x4000  }
0x127: {  	[sflag:s12] =	ssyncset.done $0x0  }
0x128: {  	s28 =	rddreg [dreg:$0x19];
	[sflag:s12] =	ssyncadd.s32 $0xFFFFC000  }
0x129: {  	[hbm4b:s28+s2] =	stream.linear.scatter [tilespmem:s1], [sflag:$0x7], $0x4000, $0x38;
	[tilespmem:$0x17740] =	vst v63  }
0x12a: {  	_ =	swait.ge [sflag:s13], $0x4000  }
0x12b: {  	[sflag:s13] =	ssyncset.done $0x0  }
0x12c: {  	s31 =	rddreg [dreg:$0x1a];
	[sflag:s13] =	ssyncadd.s32 $0xFFFFC000  }
0x12d: {  	[hbm4b:s31+s2] =	stream.linear.scatter [tilespmem:s8], [sflag:$0x8], $0x4000, $0x38;
	[tilespmem:$0x17740] =	vst v63  }
0x12e: {  	_ =	swait.ge [sflag:s14], $0x4000  }
0x12f: {  	[sflag:s14] =	ssyncset.done $0x0  }
0x130: {  	s6 =	rddreg [dreg:$0x1b];
	[sflag:s14] =	ssyncadd.s32 $0xFFFFC000  }
0x131: {  	[hbm4b:s6+s2] =	stream.linear.scatter [tilespmem:s9], [sflag:$0x9], $0x4000, $0x38;
	[tilespmem:$0x17740] =	vst v63  }
0x132: {  	_ =	swait.ge [sflag:s16], $0x4000  }
0x133: {  	[sflag:s16] =	ssyncset.done $0x0  }
0x134: {  	s7 =	simm.s32 $0x15200;
	[sflag:s16] =	ssyncadd.s32 $0xFFFFC000  }
0x135: {  	[tilespmem:s2], [sflag:$0x1] =	stream.indirect.gather [spmem:s29], $0x80, s7, s4, $0xb8;
	[tilespmem:$0x17740] =	vst v63  }
0x136: {  	_ =	swait.ge [sflag:s17], $0x4000  }
0x137: {  	[sflag:s17] =	ssyncset.done $0x0  }
0x138: {  	s22 =	simm.s32 $0x15280;
	[sflag:s17] =	ssyncadd.s32 $0xFFFFC000  }
0x139: {  	[tilespmem:s1], [sflag:$0x2] =	stream.indirect.gather [spmem:s29], $0x80, s22, s4, $0xb8;
	[tilespmem:$0x17740] =	vst v63  }
0x13a: {  	_ =	swait.ge [sflag:s18], $0x4000  }
0x13b: {  	[sflag:s18] =	ssyncset.done $0x0  }
0x13c: {  	s23 =	simm.s32 $0x15300;
	[sflag:s18] =	ssyncadd.s32 $0xFFFFC000  }
0x13d: {  	[tilespmem:s8], [sflag:$0x3] =	stream.indirect.gather [spmem:s29], $0x80, s23, s4, $0xb8;
	[tilespmem:$0x17740] =	vst v63  }
0x13e: {  	_ =	swait.ge [sflag:s19], $0x4000  }
0x13f: {  	[sflag:s19] =	ssyncset.done $0x0  }
0x140: {  	s24 =	simm.s32 $0x15380;
	[sflag:s19] =	ssyncadd.s32 $0xFFFFC000  }
0x141: {  	[tilespmem:s9], [sflag:$0x4] =	stream.indirect.gather [spmem:s29], $0x80, s24, s4, $0xb8;
	[tilespmem:$0x17740] =	vst v63  }
0x142: {  	_ =	swait.ge [sflag:s11], $0x4000  }
0x143: {  	[sflag:s11] =	ssyncset.done $0x0  }
0x144: {  	s25 =	rddreg [dreg:$0x12];
	[sflag:s11] =	ssyncadd.s32 $0xFFFFC000  }
0x145: {  	[hbm4b:s25+s2] =	stream.linear.scatter [tilespmem:s2], [sflag:$0x6], $0x4000, $0x38;
	[tilespmem:$0x17740] =	vst v63  }
0x146: {  	_ =	swait.ge [sflag:s12], $0x4000  }
0x147: {  	[sflag:s12] =	ssyncset.done $0x0  }
0x148: {  	s26 =	rddreg [dreg:$0x13];
	[sflag:s12] =	ssyncadd.s32 $0xFFFFC000  }
0x149: {  	[hbm4b:s26+s2] =	stream.linear.scatter [tilespmem:s1], [sflag:$0x7], $0x4000, $0x38;
	[tilespmem:$0x17740] =	vst v63  }
0x14a: {  	_ =	swait.ge [sflag:s13], $0x4000  }
0x14b: {  	[sflag:s13] =	ssyncset.done $0x0  }
0x14c: {  	s28 =	rddreg [dreg:$0x14];
	[sflag:s13] =	ssyncadd.s32 $0xFFFFC000  }
0x14d: {  	[hbm4b:s28+s2] =	stream.linear.scatter [tilespmem:s8], [sflag:$0x8], $0x4000, $0x38;
	[tilespmem:$0x17740] =	vst v63  }
0x14e: {  	_ =	swait.ge [sflag:s14], $0x4000  }
0x14f: {  	[sflag:s14] =	ssyncset.done $0x0  }
0x150: {  	s31 =	rddreg [dreg:$0x15];
	[sflag:s14] =	ssyncadd.s32 $0xFFFFC000  }
0x151: {  	[hbm4b:s31+s2] =	stream.linear.scatter [tilespmem:s9], [sflag:$0x9], $0x4000, $0x38;
	[tilespmem:$0x17740] =	vst v63  }
0x152: {  	_ =	swait.ge [sflag:s16], $0x4000  }
0x153: {  	[sflag:s16] =	ssyncset.done $0x0  }
0x154: {  	s6 =	simm.s32 $0x15400;
	[sflag:s16] =	ssyncadd.s32 $0xFFFFC000  }
0x155: {  	[tilespmem:s2], [sflag:$0x1] =	stream.indirect.gather [spmem:s29], $0x80, s6, s4, $0xb8;
	[tilespmem:$0x17740] =	vst v63  }
0x156: {  	_ =	swait.ge [sflag:s17], $0x4000  }
0x157: {  	[sflag:s17] =	ssyncset.done $0x0  }
0x158: {  	s7 =	simm.s32 $0x15480;
	[sflag:s17] =	ssyncadd.s32 $0xFFFFC000  }
0x159: {  	[tilespmem:s1], [sflag:$0x2] =	stream.indirect.gather [spmem:s29], $0x80, s7, s4, $0xb8;
	[tilespmem:$0x17740] =	vst v63  }
0x15a: {  	_ =	swait.ge [sflag:s18], $0x4000  }
0x15b: {  	[sflag:s18] =	ssyncset.done $0x0  }
0x15c: {  	s22 =	simm.s32 $0x15500;
	[sflag:s18] =	ssyncadd.s32 $0xFFFFC000  }
0x15d: {  	[tilespmem:s8], [sflag:$0x3] =	stream.indirect.gather [spmem:s29], $0x80, s22, s4, $0xb8;
	[tilespmem:$0x17740] =	vst v63  }
0x15e: {  	_ =	swait.ge [sflag:s19], $0x4000  }
0x15f: {  	[sflag:s19] =	ssyncset.done $0x0  }
0x160: {  	s23 =	simm.s32 $0x15580;
	[sflag:s19] =	ssyncadd.s32 $0xFFFFC000  }
0x161: {  	[tilespmem:s9], [sflag:$0x4] =	stream.indirect.gather [spmem:s29], $0x80, s23, s4, $0xb8;
	[tilespmem:$0x17740] =	vst v63  }
0x162: {  	_ =	swait.ge [sflag:s11], $0x4000  }
0x163: {  	[sflag:s11] =	ssyncset.done $0x0  }
0x164: {  	s24 =	rddreg [dreg:$0x6];
	[sflag:s11] =	ssyncadd.s32 $0xFFFFC000  }
0x165: {  	[hbm4b:s24+s2] =	stream.linear.scatter [tilespmem:s2], [sflag:$0x6], $0x4000, $0x38;
	[tilespmem:$0x17740] =	vst v63  }
0x166: {  	_ =	swait.ge [sflag:s12], $0x4000  }
0x167: {  	[sflag:s12] =	ssyncset.done $0x0  }
0x168: {  	s25 =	rddreg [dreg:$0xf];
	[sflag:s12] =	ssyncadd.s32 $0xFFFFC000  }
0x169: {  	[hbm4b:s25+s2] =	stream.linear.scatter [tilespmem:s1], [sflag:$0x7], $0x4000, $0x38;
	[tilespmem:$0x17740] =	vst v63  }
0x16a: {  	_ =	swait.ge [sflag:s13], $0x4000  }
0x16b: {  	[sflag:s13] =	ssyncset.done $0x0  }
0x16c: {  	s26 =	rddreg [dreg:$0x10];
	[sflag:s13] =	ssyncadd.s32 $0xFFFFC000  }
0x16d: {  	[hbm4b:s26+s2] =	stream.linear.scatter [tilespmem:s8], [sflag:$0x8], $0x4000, $0x38;
	[tilespmem:$0x17740] =	vst v63  }
0x16e: {  	_ =	swait.ge [sflag:s14], $0x4000  }
0x16f: {  	[sflag:s14] =	ssyncset.done $0x0  }
0x170: {  	s28 =	rddreg [dreg:$0x11];
	[sflag:s14] =	ssyncadd.s32 $0xFFFFC000  }
0x171: {  	[hbm4b:s28+s2] =	stream.linear.scatter [tilespmem:s9], [sflag:$0x9], $0x4000, $0x38;
	[tilespmem:$0x17740] =	vst v63  }
0x172: {  	_ =	swait.ge [sflag:s16], $0x4000  }
0x173: {  	[sflag:s16] =	ssyncset.done $0x0  }
0x174: {  	[sflag:s16] =	ssyncadd.s32 $0xFFFFC000  }
0x175: {  	_ =	swait.ge [sflag:s17], $0x4000  }
0x176: {  	[sflag:s17] =	ssyncset.done $0x0  }
0x177: {  	[sflag:s17] =	ssyncadd.s32 $0xFFFFC000  }
0x178: {  	_ =	swait.ge [sflag:s18], $0x4000  }
0x179: {  	[sflag:s18] =	ssyncset.done $0x0  }
0x17a: {  	[sflag:s18] =	ssyncadd.s32 $0xFFFFC000  }
0x17b: {  	_ =	swait.ge [sflag:s19], $0x4000  }
0x17c: {  	s5 =	simm.s32 @!p1 $0x80;
	[sflag:s19] =	ssyncset.done $0x0  }
0x17d: {  	s6 =	simm.s32 @!p1 $0x15600;
	s7 =	simm.s32 @!p1 $0x0;
	[sflag:s19] =	ssyncadd.s32 $0xFFFFC000  }
0x17e: {  	[tilespmem:s7], [sflag:$0x1] =	stream.indirect.gather @!p1 [spmem:s29], $0x80, s6, s5, $0xb8;
	[tilespmem:$0x17740] =	vst v63  }
0x17f: {  	s5 =	simm.s32 @!p1 $0x1  }
0x180: {  	_ =	swait.ge @!p1 [sflag:s5], $0x4000  }
0x181: {  	[sflag:s5] =	ssyncset.done @!p1 $0x0  }
0x182: {  	[sflag:s5] =	ssyncadd.s32 @!p1 $0xFFFFC000;
	s5 =	rddreg [dreg:$0x16]  }
0x183: {  	[hbm4b:s5+s7] =	stream.linear.scatter @!p1 [tilespmem:s7], [sflag:$0x6], $0x4000, $0x38;
	[tilespmem:$0x17740] =	vst v63  }
0x184: {  	s5 =	simm.s32 @!p1 $0x6  }
0x185: {  	_ =	swait.ge @!p1 [sflag:s5], $0x4000  }
0x186: {  	s30 =	sadd.s32 $0x1, s30;
	s31 =	rddreg [dreg:$0x17]  }
0x187: {  	p2 =	sne.s32 s30, s31  }
.Ltmp1:
0x188: {  	_ = 	snop;
	(pc) =	sbr.rel @p2 .LBB2_1-.Ltmp1, $3  }
0x189: {  	_ =	sdelay $0x1  }
0x18a: {  	[sflag:s5] =	ssyncset.done @!p1 $0x0  }
0x18b: {  	[sflag:s5] =	ssyncadd.s32 @!p1 $0xFFFFC000  }
0x18c: {  	_ =	sfence.sel $0x180000  }
0x18d: {  	[bflag:$0x0] =	sbarrier.arrive $0xFFFF  }
0x18e: {  	_ =	strace $0x90000047  }
0x18f: {  	[bflag:$0x2] =	sbarrier.arrive $0xFFFF  }
0x190: {  	s0 =	rddreg [dreg:$0x5]  }
0x191: {  	s0 =	sadd.s32 @!p0 $0x100000, s0  }
0x192: {  	[sflag:s0] =	ssyncadd.tile.s32 @!p0 $0x1;
	_ =	shalt  }
.Lfunc_end2:
_tile_overlayer_lowered:
.L_overlay_start_2:
0x193: {  	(tag) =	ssettag $0x2  }
0x194: {  	s0 =	rddreg [dreg:$0x0];
	s2 =	stileid.u32  }
0x195: {  	s1 =	rddreg [dreg:$0x1];
	p0 =	sne.s32 s2, $0x0  }
0x196: {  	s3 =	rddreg [dreg:$0x2];
	[bflag:$0x3] =	sbarrier.arrive $0xFFFF;
	s2 =	simm.s32 @!p0 $0x1C0D  }
0x197: {  	[timem:s3], [sflag:s2] =	dma.local @!p0 [hbm:s0], s1  }
0x198: {  	s0 =	simm.s32 @!p0 $0xD  }
0x199: {  	_ =	swait.ge @!p0 [sflag:s0], s1  }
0x19a: {  	s1 =	ssub.s32 @!p0 $0x0, s1;
	[sflag:s0] =	ssyncset.done @!p0 $0x0  }
0x19b: {  	[sflag:s0] =	ssyncadd.s32 @!p0 s1  }
0x19c: {  	[bflag:$0x3] =	sbarrier.arrive $0xFFFF  }
0x19d: {  	_ =	shalt  }

</sc_bundles>
